<compile_context>
chip_gen: v7x
topology: tpu7x:2x2x1
jax: 0.10.2.dev20260603
libtpu: 0.0.44.dev20260713+nightly
codegen_flags: <defaults>
</compile_context>

<pallas_src>
import functools

import jax
import jax.numpy as jnp
from jax import lax
from jax.experimental import pallas as pl
from jax.experimental.pallas import tpu as pltpu
from jax.experimental.pallas import tpu_sc as plsc

B, S, D = 4, 8192, 1024
ST, SR = S // 8, 8
DTILE, DLANE = D // 128, 128
DT = 8
SCHUNK = 1024
CST = SCHUNK // 8
NCHUNK = S // SCHUNK
NBLK = B * DTILE
BPC = NBLK // 2
XPH = 4
XSPST = ST // XPH


def _body(x_hbm, idx_hbm, out_hbm, xsp, xbuf, ib0, ib1, ob0, ob1,
          sem_x, si0, si1, so0, so1):
    c_ax = lax.axis_index("c")
    k = lax.axis_index("s")
    dc0 = k * DT

    lane = jnp.arange(16, dtype=jnp.int32)
    col = lane & 7
    half = lane >> 3

    ibufs = (ib0, ib1)
    obufs = (ob0, ob1)
    isems = (si0, si1)
    osems = (so0, so1)

    @pl.loop(0, BPC)
    def _block(blk):
        beta = c_ax * BPC + blk
        b = beta // DTILE
        dt = beta % DTILE

        def idx_slice(c):
            return idx_hbm.at[b, pl.ds(c * CST, CST), dt, :, pl.ds(dc0, DT)]

        def out_slice(c):
            return out_hbm.at[b, pl.ds(c * CST, CST), dt, :, pl.ds(dc0, DT)]

        pltpu.async_copy(idx_slice(0), ibufs[0], isems[0])

        for h in range(XPH):
            pltpu.async_copy(
                x_hbm.at[b, pl.ds(h * XSPST + k * (XSPST // 16), XSPST // 16),
                         dt, :, :],
                xsp.at[pl.ds(k * (XSPST // 16), XSPST // 16)], sem_x).wait()
            plsc.subcore_barrier()
            pltpu.async_copy(xsp.at[:, :, pl.ds(dc0, DT)],
                             xbuf.at[pl.ds(h * XSPST, XSPST)], sem_x).wait()
            plsc.subcore_barrier()

        for c in range(NCHUNK):
            p = c % 2
            ib, ob = ibufs[p], obufs[p]
            pltpu.make_async_copy(idx_slice(c), ib, isems[p]).wait()
            if c + 1 < NCHUNK:
                pltpu.async_copy(idx_slice(c + 1), ibufs[1 - p], isems[1 - p])
            if c >= 2:
                pltpu.make_async_copy(ob, out_slice(c - 2), osems[p]).wait()

            @plsc.parallel_loop(0, SCHUNK // 2, unroll=4)
            def _rows(i):
                r = half + 2 * i
                rst, rsr = r >> 3, r & 7
                idxv = plsc.load_gather(ib, [rst, rsr, col])
                plsc.store_scatter(
                    ob, [rst, rsr, col],
                    plsc.load_gather(xbuf, [idxv >> 3, idxv & 7, col]))

            pltpu.async_copy(ob, out_slice(c), osems[p])

        pltpu.make_async_copy(obufs[0], out_slice(NCHUNK - 2), osems[0]).wait()
        pltpu.make_async_copy(obufs[1], out_slice(NCHUNK - 1), osems[1]).wait()


@jax.jit
def _index_pool(x5, idx5):
    mesh = plsc.VectorSubcoreMesh(core_axis_name="c", subcore_axis_name="s")
    return pl.kernel(
        _body,
        out_type=jax.ShapeDtypeStruct((B, ST, DTILE, SR, DLANE), jnp.float32),
        mesh=mesh,
        compiler_params=pltpu.CompilerParams(
            use_tc_tiling_on_sc=False, needs_layout_passes=False
        ),
        scratch_types=[
            pltpu.VMEM_SHARED((XSPST, SR, DLANE), jnp.float32),
            pltpu.VMEM((ST, SR, DT), jnp.float32),
            pltpu.VMEM((CST, SR, DT), jnp.int32),
            pltpu.VMEM((CST, SR, DT), jnp.int32),
            pltpu.VMEM((CST, SR, DT), jnp.float32),
            pltpu.VMEM((CST, SR, DT), jnp.float32),
        ] + [pltpu.SemaphoreType.DMA] * 5,
    )(x5, idx5)


def kernel(x, index):
    if index.dtype != jnp.int32:
        index = index.astype(jnp.int32)
    x5 = x.reshape(B, ST, SR, DTILE, DLANE).transpose(0, 1, 3, 2, 4)
    idx5 = index.reshape(B, ST, SR, DTILE, DLANE).transpose(0, 1, 3, 2, 4)
    out5 = _index_pool(x5, idx5)
    return out5.transpose(0, 1, 3, 2, 4).reshape(B, S, D)

# --- scband reference (transcript-rebuilt; emitter-appended) ---
"""Pipeline reference for scband-index-pool-84353157693920 (READ-ONLY COPY).

The authoritative reference and input builder live on the scoring server;
editing this copy changes nothing except your own understanding.
"""

import jax, jax.numpy as jnp
import numpy as np


def setup_inputs(seed: int = 0) -> dict:
    key = jax.random.key(seed)
    kx, ki = jax.random.split(key)
    x = jax.random.normal(kx, (4, 8192, 1024), dtype=jnp.float32)
    index = jax.random.randint(ki, (4, 8192, 1024), 0, 8192, dtype=jnp.int64)
    return {"x": x, "index": index}


def reference(x, index):
    # IndexPool with init index=None: forward uses x.gather(dim=1, index=index)
    # torch.gather(dim=1) == jnp.take_along_axis(..., axis=1)
    return jnp.take_along_axis(x, index, axis=1)

if __name__ == "__main__":
    import jax
    _d = setup_inputs()
    print(jax.jit(kernel)(*tuple(_d.values())))

</pallas_src>

<mosaic_0001>
#map = affine_map<(d0, d1) -> (0, 0, 0, 0, 0)>
module attributes {stable_mosaic.version = 14 : i64} {
  func.func @_body(%arg0: i32, %arg1: i32, %arg2: memref<4x1024x8x8x128xf32, #tpu.memory_space<hbm>>, %arg3: memref<4x1024x8x8x128xi32, #tpu.memory_space<hbm>>, %arg4: memref<4x1024x8x8x128xf32, #tpu.memory_space<hbm>>, %arg5: memref<256x8x128xf32, #tpu.memory_space<vmem_shared>>, %arg6: memref<1024x8x8xf32, #tpu.memory_space<vmem>>, %arg7: memref<128x8x8xi32, #tpu.memory_space<vmem>>, %arg8: memref<128x8x8xi32, #tpu.memory_space<vmem>>, %arg9: memref<128x8x8xf32, #tpu.memory_space<vmem>>, %arg10: memref<128x8x8xf32, #tpu.memory_space<vmem>>, %arg11: memref<!tpu.dma_semaphore, #tpu.memory_space<semaphore_mem>>, %arg12: memref<!tpu.dma_semaphore, #tpu.memory_space<semaphore_mem>>, %arg13: memref<!tpu.dma_semaphore, #tpu.memory_space<semaphore_mem>>, %arg14: memref<!tpu.dma_semaphore, #tpu.memory_space<semaphore_mem>>, %arg15: memref<!tpu.dma_semaphore, #tpu.memory_space<semaphore_mem>>) attributes {dimension_semantics = [#tpu.dimension_semantics<core_parallel>, #tpu.dimension_semantics<subcore_parallel>], iteration_bounds = array<i64: 2, 16>, scalar_prefetch = 0 : i64, scratch_operands = 11 : i64, tpu.core_type = #tpu.core_type<sc_vector_subcore>, window_params = [{transform_indices = #map}, {transform_indices = #map}, {transform_indices = #map}]} {
    %mul3A = arith.constant 8 : i32
    %mul3A_0 = arith.muli %arg1, %mul3A : i32
    %iota3A = tpu.iota {dimensions = array<i32: 0>} : vector<16xi32>
    %and3A = arith.constant 7 : i32
    %and3A_1 = vector.broadcast %and3A : i32 to vector<16xi32>
    %and3A_2 = arith.andi %iota3A, %and3A_1 : vector<16xi32>
    %shift_right_arithmetic3A = arith.constant 3 : i32
    %shift_right_arithmetic3A_3 = vector.broadcast %shift_right_arithmetic3A : i32 to vector<16xi32>
    %shift_right_arithmetic3A_4 = arith.shrsi %iota3A, %shift_right_arithmetic3A_3 : vector<16xi32>
    %scan3A = arith.constant 0 : i32
    %scan3A_5 = arith.constant 16 : i32
    %scan3A_6 = arith.addi %scan3A, %scan3A_5 : i32
    %scan3A_7 = arith.constant 1 : i32
    scf.for %scan3A_9 = %scan3A to %scan3A_6 step %scan3A_7  : i32 {
      %mul3A_10 = arith.constant 1 : i32
      %mul3A_11 = arith.muli %scan3A_9, %mul3A_10 : i32
      %add3A = arith.constant 0 : i32
      %add3A_12 = arith.addi %add3A, %mul3A_11 : i32
      %mul3A_13 = arith.constant 16 : i32
      %mul3A_14 = arith.muli %arg0, %mul3A_13 : i32
      %add3A_15 = arith.addi %mul3A_14, %add3A_12 : i32
      %jit3A = arith.constant 8 : i32
      %div3A = arith.divsi %add3A_15, %jit3A : i32
      %sign3A = arith.constant 0 : i32
      %sign3A_16 = arith.cmpi sgt, %add3A_15, %sign3A : i32
      %sign3A_17 = arith.extui %sign3A_16 : i1 to i32
      %sign3A_18 = arith.constant 0 : i32
      %sign3A_19 = arith.cmpi slt, %add3A_15, %sign3A_18 : i32
      %sign3A_20 = arith.extui %sign3A_19 : i1 to i32
      %sign3A_21 = arith.subi %sign3A_17, %sign3A_20 : i32
      %sign3A_22 = arith.constant 0 : i32
      %sign3A_23 = arith.cmpi sgt, %jit3A, %sign3A_22 : i32
      %sign3A_24 = arith.extui %sign3A_23 : i1 to i32
      %sign3A_25 = arith.constant 0 : i32
      %sign3A_26 = arith.cmpi slt, %jit3A, %sign3A_25 : i32
      %sign3A_27 = arith.extui %sign3A_26 : i1 to i32
      %sign3A_28 = arith.subi %sign3A_24, %sign3A_27 : i32
      %ne3A = arith.cmpi ne, %sign3A_21, %sign3A_28 : i32
      %rem3A = arith.remsi %add3A_15, %jit3A : i32
      %ne3A_29 = arith.constant 0 : i32
      %ne3A_30 = arith.cmpi ne, %rem3A, %ne3A_29 : i32
      %and3A_31 = arith.andi %ne3A, %ne3A_30 : i1
      %sub3A = arith.constant 1 : i32
      %sub3A_32 = arith.subi %div3A, %sub3A : i32
      %select_n3A = arith.select %and3A_31, %sub3A_32, %div3A : i32
      %jit3A_33 = arith.constant 8 : i32
      %eq3A = arith.constant 0 : i32
      %eq3A_34 = arith.cmpi eq, %jit3A_33, %eq3A : i32
      %jit3A_35 = arith.constant 1 : i32
      %select_n3A_36 = arith.select %eq3A_34, %jit3A_35, %jit3A_33 : i32
      %rem3A_37 = arith.remsi %add3A_15, %select_n3A_36 : i32
      %ne3A_38 = arith.constant 0 : i32
      %ne3A_39 = arith.cmpi ne, %rem3A_37, %ne3A_38 : i32
      %lt3A = arith.constant 0 : i32
      %lt3A_40 = arith.cmpi slt, %rem3A_37, %lt3A : i32
      %lt3A_41 = arith.constant 0 : i32
      %lt3A_42 = arith.cmpi slt, %select_n3A_36, %lt3A_41 : i32
      %ne3A_43 = arith.xori %lt3A_40, %lt3A_42 : i1
      %and3A_44 = arith.andi %ne3A_43, %ne3A_39 : i1
      %add3A_45 = arith.addi %rem3A_37, %select_n3A_36 : i32
      %select_n3A_46 = arith.select %and3A_44, %add3A_45, %rem3A_37 : i32
      %dma_start3A = arith.constant 0 : i32
      %dma_start3A_47 = arith.constant 0 : i32
      %dma_start3A_48 = tpu.memref_slice %arg3[%select_n3A, %dma_start3A, %select_n3A_46, %dma_start3A_47, %mul3A_0] : memref<4x1024x8x8x128xi32, #tpu.memory_space<hbm>> -> memref<1x128x1x8x8xi32, #tpu.memory_space<hbm>>
      %dma_start3A_49 = tpu.memref_squeeze %dma_start3A_48 : memref<1x128x1x8x8xi32, #tpu.memory_space<hbm>> -> memref<128x8x8xi32, #tpu.memory_space<hbm>>
      %dma_start3A_50 = arith.constant 0 : i32
      %dma_start3A_51 = arith.constant 0 : i32
      %dma_start3A_52 = tpu.memref_slice %arg3[%select_n3A, %dma_start3A_50, %select_n3A_46, %dma_start3A_51, %mul3A_0] : memref<4x1024x8x8x128xi32, #tpu.memory_space<hbm>> -> memref<1x128x1x8x8xi32, #tpu.memory_space<hbm>>
      %dma_start3A_53 = tpu.memref_squeeze %dma_start3A_52 : memref<1x128x1x8x8xi32, #tpu.memory_space<hbm>> -> memref<128x8x8xi32, #tpu.memory_space<hbm>>
      tpu.enqueue_dma source(%dma_start3A_53 : memref<128x8x8xi32, #tpu.memory_space<hbm>>) target(%arg7 : memref<128x8x8xi32, #tpu.memory_space<vmem>>) target_semaphore(%arg12 : memref<!tpu.dma_semaphore, #tpu.memory_space<semaphore_mem>>)
      %mul3A_54 = arith.constant 16 : i32
      %mul3A_55 = arith.muli %arg1, %mul3A_54 : i32
      %add3A_56 = arith.constant 0 : i32
      %add3A_57 = arith.addi %add3A_56, %mul3A_55 : i32
      %mul3A_58 = arith.constant 16 : i32
      %mul3A_59 = arith.muli %arg1, %mul3A_58 : i32
      %dma_start3A_60 = arith.constant 0 : i32
      %dma_start3A_61 = arith.constant 0 : i32
      %dma_start3A_62 = tpu.memref_slice %arg5[%mul3A_59, %dma_start3A_60, %dma_start3A_61] : memref<256x8x128xf32, #tpu.memory_space<vmem_shared>> -> memref<16x8x128xf32, #tpu.memory_space<vmem_shared>>
      %dma_start3A_63 = arith.constant 0 : i32
      %dma_start3A_64 = arith.constant 0 : i32
      %dma_start3A_65 = tpu.memref_slice %arg2[%select_n3A, %add3A_57, %select_n3A_46, %dma_start3A_63, %dma_start3A_64] : memref<4x1024x8x8x128xf32, #tpu.memory_space<hbm>> -> memref<1x16x1x8x128xf32, #tpu.memory_space<hbm>>
      %dma_start3A_66 = tpu.memref_squeeze %dma_start3A_65 : memref<1x16x1x8x128xf32, #tpu.memory_space<hbm>> -> memref<16x8x128xf32, #tpu.memory_space<hbm>>
      tpu.enqueue_dma source(%dma_start3A_66 : memref<16x8x128xf32, #tpu.memory_space<hbm>>) target(%dma_start3A_62 : memref<16x8x128xf32, #tpu.memory_space<vmem_shared>>) target_semaphore(%arg11 : memref<!tpu.dma_semaphore, #tpu.memory_space<semaphore_mem>>)
      %dma_wait3A = arith.constant 0 : i32
      %dma_wait3A_67 = arith.constant 0 : i32
      %dma_wait3A_68 = tpu.memref_slice %arg5[%mul3A_59, %dma_wait3A, %dma_wait3A_67] : memref<256x8x128xf32, #tpu.memory_space<vmem_shared>> -> memref<16x8x128xf32, #tpu.memory_space<vmem_shared>>
      %dma_wait3A_69 = arith.constant 0 : i32
      %dma_wait3A_70 = arith.constant 0 : i32
      %dma_wait3A_71 = tpu.memref_slice %arg2[%select_n3A, %add3A_57, %select_n3A_46, %dma_wait3A_69, %dma_wait3A_70] : memref<4x1024x8x8x128xf32, #tpu.memory_space<hbm>> -> memref<1x16x1x8x128xf32, #tpu.memory_space<hbm>>
      %dma_wait3A_72 = tpu.memref_squeeze %dma_wait3A_71 : memref<1x16x1x8x128xf32, #tpu.memory_space<hbm>> -> memref<16x8x128xf32, #tpu.memory_space<hbm>>
      tpu.wait_dma2 semaphore(%arg11 : memref<!tpu.dma_semaphore, #tpu.memory_space<semaphore_mem>>) src(%dma_wait3A_72 : memref<16x8x128xf32, #tpu.memory_space<hbm>>) dst(%dma_wait3A_68 : memref<16x8x128xf32, #tpu.memory_space<vmem_shared>>)
      %barrier3A = arith.constant 0 : index
      tpu.barrier barrier_id(%barrier3A)
      %dma_start3A_73 = arith.constant 0 : i32
      %dma_start3A_74 = arith.constant 0 : i32
      %dma_start3A_75 = arith.constant 0 : i32
      %dma_start3A_76 = tpu.memref_slice %arg6[%dma_start3A_73, %dma_start3A_74, %dma_start3A_75] : memref<1024x8x8xf32, #tpu.memory_space<vmem>> -> memref<256x8x8xf32, #tpu.memory_space<vmem>>
      %dma_start3A_77 = arith.constant 0 : i32
      %dma_start3A_78 = arith.constant 0 : i32
      %dma_start3A_79 = tpu.memref_slice %arg5[%dma_start3A_77, %dma_start3A_78, %mul3A_0] : memref<256x8x128xf32, #tpu.memory_space<vmem_shared>> -> memref<256x8x8xf32, #tpu.memory_space<vmem_shared>>
      %dma_start3A_80 = arith.constant 0 : i32
      %dma_start3A_81 = arith.constant 0 : i32
      %dma_start3A_82 = arith.constant 0 : i32
      %dma_start3A_83 = tpu.memref_slice %arg6[%dma_start3A_80, %dma_start3A_81, %dma_start3A_82] : memref<1024x8x8xf32, #tpu.memory_space<vmem>> -> memref<256x8x8xf32, #tpu.memory_space<vmem>>
      %dma_start3A_84 = arith.constant 0 : i32
      %dma_start3A_85 = arith.constant 0 : i32
      %dma_start3A_86 = tpu.memref_slice %arg5[%dma_start3A_84, %dma_start3A_85, %mul3A_0] : memref<256x8x128xf32, #tpu.memory_space<vmem_shared>> -> memref<256x8x8xf32, #tpu.memory_space<vmem_shared>>
      tpu.enqueue_dma source(%dma_start3A_86 : memref<256x8x8xf32, #tpu.memory_space<vmem_shared>>) target(%dma_start3A_83 : memref<256x8x8xf32, #tpu.memory_space<vmem>>) target_semaphore(%arg11 : memref<!tpu.dma_semaphore, #tpu.memory_space<semaphore_mem>>)
      %dma_wait3A_87 = arith.constant 0 : i32
      %dma_wait3A_88 = arith.constant 0 : i32
      %dma_wait3A_89 = arith.constant 0 : i32
      %dma_wait3A_90 = tpu.memref_slice %arg6[%dma_wait3A_87, %dma_wait3A_88, %dma_wait3A_89] : memref<1024x8x8xf32, #tpu.memory_space<vmem>> -> memref<256x8x8xf32, #tpu.memory_space<vmem>>
      %dma_wait3A_91 = arith.constant 0 : i32
      %dma_wait3A_92 = arith.constant 0 : i32
      %dma_wait3A_93 = tpu.memref_slice %arg5[%dma_wait3A_91, %dma_wait3A_92, %mul3A_0] : memref<256x8x128xf32, #tpu.memory_space<vmem_shared>> -> memref<256x8x8xf32, #tpu.memory_space<vmem_shared>>
      %dma_wait3A_94 = arith.constant 0 : i32
      %dma_wait3A_95 = arith.constant 0 : i32
      %dma_wait3A_96 = arith.constant 0 : i32
      %dma_wait3A_97 = tpu.memref_slice %arg6[%dma_wait3A_94, %dma_wait3A_95, %dma_wait3A_96] : memref<1024x8x8xf32, #tpu.memory_space<vmem>> -> memref<256x8x8xf32, #tpu.memory_space<vmem>>
      %dma_wait3A_98 = arith.constant 0 : i32
      %dma_wait3A_99 = arith.constant 0 : i32
      %dma_wait3A_100 = tpu.memref_slice %arg5[%dma_wait3A_98, %dma_wait3A_99, %mul3A_0] : memref<256x8x128xf32, #tpu.memory_space<vmem_shared>> -> memref<256x8x8xf32, #tpu.memory_space<vmem_shared>>
      tpu.wait_dma2 semaphore(%arg11 : memref<!tpu.dma_semaphore, #tpu.memory_space<semaphore_mem>>) src(%dma_wait3A_100 : memref<256x8x8xf32, #tpu.memory_space<vmem_shared>>) dst(%dma_wait3A_97 : memref<256x8x8xf32, #tpu.memory_space<vmem>>)
      %barrier3A_101 = arith.constant 0 : index
      tpu.barrier barrier_id(%barrier3A_101)
      %mul3A_102 = arith.constant 16 : i32
      %mul3A_103 = arith.muli %arg1, %mul3A_102 : i32
      %add3A_104 = arith.constant 256 : i32
      %add3A_105 = arith.addi %add3A_104, %mul3A_103 : i32
      %mul3A_106 = arith.constant 16 : i32
      %mul3A_107 = arith.muli %arg1, %mul3A_106 : i32
      %dma_start3A_108 = arith.constant 0 : i32
      %dma_start3A_109 = arith.constant 0 : i32
      %dma_start3A_110 = tpu.memref_slice %arg5[%mul3A_107, %dma_start3A_108, %dma_start3A_109] : memref<256x8x128xf32, #tpu.memory_space<vmem_shared>> -> memref<16x8x128xf32, #tpu.memory_space<vmem_shared>>
      %dma_start3A_111 = arith.constant 0 : i32
      %dma_start3A_112 = arith.constant 0 : i32
      %dma_start3A_113 = tpu.memref_slice %arg2[%select_n3A, %add3A_105, %select_n3A_46, %dma_start3A_111, %dma_start3A_112] : memref<4x1024x8x8x128xf32, #tpu.memory_space<hbm>> -> memref<1x16x1x8x128xf32, #tpu.memory_space<hbm>>
      %dma_start3A_114 = tpu.memref_squeeze %dma_start3A_113 : memref<1x16x1x8x128xf32, #tpu.memory_space<hbm>> -> memref<16x8x128xf32, #tpu.memory_space<hbm>>
      tpu.enqueue_dma source(%dma_start3A_114 : memref<16x8x128xf32, #tpu.memory_space<hbm>>) target(%dma_start3A_110 : memref<16x8x128xf32, #tpu.memory_space<vmem_shared>>) target_semaphore(%arg11 : memref<!tpu.dma_semaphore, #tpu.memory_space<semaphore_mem>>)
      %dma_wait3A_115 = arith.constant 0 : i32
      %dma_wait3A_116 = arith.constant 0 : i32
      %dma_wait3A_117 = tpu.memref_slice %arg5[%mul3A_107, %dma_wait3A_115, %dma_wait3A_116] : memref<256x8x128xf32, #tpu.memory_space<vmem_shared>> -> memref<16x8x128xf32, #tpu.memory_space<vmem_shared>>
      %dma_wait3A_118 = arith.constant 0 : i32
      %dma_wait3A_119 = arith.constant 0 : i32
      %dma_wait3A_120 = tpu.memref_slice %arg2[%select_n3A, %add3A_105, %select_n3A_46, %dma_wait3A_118, %dma_wait3A_119] : memref<4x1024x8x8x128xf32, #tpu.memory_space<hbm>> -> memref<1x16x1x8x128xf32, #tpu.memory_space<hbm>>
      %dma_wait3A_121 = tpu.memref_squeeze %dma_wait3A_120 : memref<1x16x1x8x128xf32, #tpu.memory_space<hbm>> -> memref<16x8x128xf32, #tpu.memory_space<hbm>>
      tpu.wait_dma2 semaphore(%arg11 : memref<!tpu.dma_semaphore, #tpu.memory_space<semaphore_mem>>) src(%dma_wait3A_121 : memref<16x8x128xf32, #tpu.memory_space<hbm>>) dst(%dma_wait3A_117 : memref<16x8x128xf32, #tpu.memory_space<vmem_shared>>)
      %barrier3A_122 = arith.constant 0 : index
      tpu.barrier barrier_id(%barrier3A_122)
      %dma_start3A_123 = arith.constant 256 : i32
      %dma_start3A_124 = arith.constant 0 : i32
      %dma_start3A_125 = arith.constant 0 : i32
      %dma_start3A_126 = tpu.memref_slice %arg6[%dma_start3A_123, %dma_start3A_124, %dma_start3A_125] : memref<1024x8x8xf32, #tpu.memory_space<vmem>> -> memref<256x8x8xf32, #tpu.memory_space<vmem>>
      %dma_start3A_127 = arith.constant 0 : i32
      %dma_start3A_128 = arith.constant 0 : i32
      %dma_start3A_129 = tpu.memref_slice %arg5[%dma_start3A_127, %dma_start3A_128, %mul3A_0] : memref<256x8x128xf32, #tpu.memory_space<vmem_shared>> -> memref<256x8x8xf32, #tpu.memory_space<vmem_shared>>
      %dma_start3A_130 = arith.constant 256 : i32
      %dma_start3A_131 = arith.constant 0 : i32
      %dma_start3A_132 = arith.constant 0 : i32
      %dma_start3A_133 = tpu.memref_slice %arg6[%dma_start3A_130, %dma_start3A_131, %dma_start3A_132] : memref<1024x8x8xf32, #tpu.memory_space<vmem>> -> memref<256x8x8xf32, #tpu.memory_space<vmem>>
      %dma_start3A_134 = arith.constant 0 : i32
      %dma_start3A_135 = arith.constant 0 : i32
      %dma_start3A_136 = tpu.memref_slice %arg5[%dma_start3A_134, %dma_start3A_135, %mul3A_0] : memref<256x8x128xf32, #tpu.memory_space<vmem_shared>> -> memref<256x8x8xf32, #tpu.memory_space<vmem_shared>>
      tpu.enqueue_dma source(%dma_start3A_136 : memref<256x8x8xf32, #tpu.memory_space<vmem_shared>>) target(%dma_start3A_133 : memref<256x8x8xf32, #tpu.memory_space<vmem>>) target_semaphore(%arg11 : memref<!tpu.dma_semaphore, #tpu.memory_space<semaphore_mem>>)
      %dma_wait3A_137 = arith.constant 256 : i32
      %dma_wait3A_138 = arith.constant 0 : i32
      %dma_wait3A_139 = arith.constant 0 : i32
      %dma_wait3A_140 = tpu.memref_slice %arg6[%dma_wait3A_137, %dma_wait3A_138, %dma_wait3A_139] : memref<1024x8x8xf32, #tpu.memory_space<vmem>> -> memref<256x8x8xf32, #tpu.memory_space<vmem>>
      %dma_wait3A_141 = arith.constant 0 : i32
      %dma_wait3A_142 = arith.constant 0 : i32
      %dma_wait3A_143 = tpu.memref_slice %arg5[%dma_wait3A_141, %dma_wait3A_142, %mul3A_0] : memref<256x8x128xf32, #tpu.memory_space<vmem_shared>> -> memref<256x8x8xf32, #tpu.memory_space<vmem_shared>>
      %dma_wait3A_144 = arith.constant 256 : i32
      %dma_wait3A_145 = arith.constant 0 : i32
      %dma_wait3A_146 = arith.constant 0 : i32
      %dma_wait3A_147 = tpu.memref_slice %arg6[%dma_wait3A_144, %dma_wait3A_145, %dma_wait3A_146] : memref<1024x8x8xf32, #tpu.memory_space<vmem>> -> memref<256x8x8xf32, #tpu.memory_space<vmem>>
      %dma_wait3A_148 = arith.constant 0 : i32
      %dma_wait3A_149 = arith.constant 0 : i32
      %dma_wait3A_150 = tpu.memref_slice %arg5[%dma_wait3A_148, %dma_wait3A_149, %mul3A_0] : memref<256x8x128xf32, #tpu.memory_space<vmem_shared>> -> memref<256x8x8xf32, #tpu.memory_space<vmem_shared>>
      tpu.wait_dma2 semaphore(%arg11 : memref<!tpu.dma_semaphore, #tpu.memory_space<semaphore_mem>>) src(%dma_wait3A_150 : memref<256x8x8xf32, #tpu.memory_space<vmem_shared>>) dst(%dma_wait3A_147 : memref<256x8x8xf32, #tpu.memory_space<vmem>>)
      %barrier3A_151 = arith.constant 0 : index
      tpu.barrier barrier_id(%barrier3A_151)
      %mul3A_152 = arith.constant 16 : i32
      %mul3A_153 = arith.muli %arg1, %mul3A_152 : i32
      %add3A_154 = arith.constant 512 : i32
      %add3A_155 = arith.addi %add3A_154, %mul3A_153 : i32
      %mul3A_156 = arith.constant 16 : i32
      %mul3A_157 = arith.muli %arg1, %mul3A_156 : i32
      %dma_start3A_158 = arith.constant 0 : i32
      %dma_start3A_159 = arith.constant 0 : i32
      %dma_start3A_160 = tpu.memref_slice %arg5[%mul3A_157, %dma_start3A_158, %dma_start3A_159] : memref<256x8x128xf32, #tpu.memory_space<vmem_shared>> -> memref<16x8x128xf32, #tpu.memory_space<vmem_shared>>
      %dma_start3A_161 = arith.constant 0 : i32
      %dma_start3A_162 = arith.constant 0 : i32
      %dma_start3A_163 = tpu.memref_slice %arg2[%select_n3A, %add3A_155, %select_n3A_46, %dma_start3A_161, %dma_start3A_162] : memref<4x1024x8x8x128xf32, #tpu.memory_space<hbm>> -> memref<1x16x1x8x128xf32, #tpu.memory_space<hbm>>
      %dma_start3A_164 = tpu.memref_squeeze %dma_start3A_163 : memref<1x16x1x8x128xf32, #tpu.memory_space<hbm>> -> memref<16x8x128xf32, #tpu.memory_space<hbm>>
      tpu.enqueue_dma source(%dma_start3A_164 : memref<16x8x128xf32, #tpu.memory_space<hbm>>) target(%dma_start3A_160 : memref<16x8x128xf32, #tpu.memory_space<vmem_shared>>) target_semaphore(%arg11 : memref<!tpu.dma_semaphore, #tpu.memory_space<semaphore_mem>>)
      %dma_wait3A_165 = arith.constant 0 : i32
      %dma_wait3A_166 = arith.constant 0 : i32
      %dma_wait3A_167 = tpu.memref_slice %arg5[%mul3A_157, %dma_wait3A_165, %dma_wait3A_166] : memref<256x8x128xf32, #tpu.memory_space<vmem_shared>> -> memref<16x8x128xf32, #tpu.memory_space<vmem_shared>>
      %dma_wait3A_168 = arith.constant 0 : i32
      %dma_wait3A_169 = arith.constant 0 : i32
      %dma_wait3A_170 = tpu.memref_slice %arg2[%select_n3A, %add3A_155, %select_n3A_46, %dma_wait3A_168, %dma_wait3A_169] : memref<4x1024x8x8x128xf32, #tpu.memory_space<hbm>> -> memref<1x16x1x8x128xf32, #tpu.memory_space<hbm>>
      %dma_wait3A_171 = tpu.memref_squeeze %dma_wait3A_170 : memref<1x16x1x8x128xf32, #tpu.memory_space<hbm>> -> memref<16x8x128xf32, #tpu.memory_space<hbm>>
      tpu.wait_dma2 semaphore(%arg11 : memref<!tpu.dma_semaphore, #tpu.memory_space<semaphore_mem>>) src(%dma_wait3A_171 : memref<16x8x128xf32, #tpu.memory_space<hbm>>) dst(%dma_wait3A_167 : memref<16x8x128xf32, #tpu.memory_space<vmem_shared>>)
      %barrier3A_172 = arith.constant 0 : index
      tpu.barrier barrier_id(%barrier3A_172)
      %dma_start3A_173 = arith.constant 512 : i32
      %dma_start3A_174 = arith.constant 0 : i32
      %dma_start3A_175 = arith.constant 0 : i32
      %dma_start3A_176 = tpu.memref_slice %arg6[%dma_start3A_173, %dma_start3A_174, %dma_start3A_175] : memref<1024x8x8xf32, #tpu.memory_space<vmem>> -> memref<256x8x8xf32, #tpu.memory_space<vmem>>
      %dma_start3A_177 = arith.constant 0 : i32
      %dma_start3A_178 = arith.constant 0 : i32
      %dma_start3A_179 = tpu.memref_slice %arg5[%dma_start3A_177, %dma_start3A_178, %mul3A_0] : memref<256x8x128xf32, #tpu.memory_space<vmem_shared>> -> memref<256x8x8xf32, #tpu.memory_space<vmem_shared>>
      %dma_start3A_180 = arith.constant 512 : i32
      %dma_start3A_181 = arith.constant 0 : i32
      %dma_start3A_182 = arith.constant 0 : i32
      %dma_start3A_183 = tpu.memref_slice %arg6[%dma_start3A_180, %dma_start3A_181, %dma_start3A_182] : memref<1024x8x8xf32, #tpu.memory_space<vmem>> -> memref<256x8x8xf32, #tpu.memory_space<vmem>>
      %dma_start3A_184 = arith.constant 0 : i32
      %dma_start3A_185 = arith.constant 0 : i32
      %dma_start3A_186 = tpu.memref_slice %arg5[%dma_start3A_184, %dma_start3A_185, %mul3A_0] : memref<256x8x128xf32, #tpu.memory_space<vmem_shared>> -> memref<256x8x8xf32, #tpu.memory_space<vmem_shared>>
      tpu.enqueue_dma source(%dma_start3A_186 : memref<256x8x8xf32, #tpu.memory_space<vmem_shared>>) target(%dma_start3A_183 : memref<256x8x8xf32, #tpu.memory_space<vmem>>) target_semaphore(%arg11 : memref<!tpu.dma_semaphore, #tpu.memory_space<semaphore_mem>>)
      %dma_wait3A_187 = arith.constant 512 : i32
      %dma_wait3A_188 = arith.constant 0 : i32
      %dma_wait3A_189 = arith.constant 0 : i32
      %dma_wait3A_190 = tpu.memref_slice %arg6[%dma_wait3A_187, %dma_wait3A_188, %dma_wait3A_189] : memref<1024x8x8xf32, #tpu.memory_space<vmem>> -> memref<256x8x8xf32, #tpu.memory_space<vmem>>
      %dma_wait3A_191 = arith.constant 0 : i32
      %dma_wait3A_192 = arith.constant 0 : i32
      %dma_wait3A_193 = tpu.memref_slice %arg5[%dma_wait3A_191, %dma_wait3A_192, %mul3A_0] : memref<256x8x128xf32, #tpu.memory_space<vmem_shared>> -> memref<256x8x8xf32, #tpu.memory_space<vmem_shared>>
      %dma_wait3A_194 = arith.constant 512 : i32
      %dma_wait3A_195 = arith.constant 0 : i32
      %dma_wait3A_196 = arith.constant 0 : i32
      %dma_wait3A_197 = tpu.memref_slice %arg6[%dma_wait3A_194, %dma_wait3A_195, %dma_wait3A_196] : memref<1024x8x8xf32, #tpu.memory_space<vmem>> -> memref<256x8x8xf32, #tpu.memory_space<vmem>>
      %dma_wait3A_198 = arith.constant 0 : i32
      %dma_wait3A_199 = arith.constant 0 : i32
      %dma_wait3A_200 = tpu.memref_slice %arg5[%dma_wait3A_198, %dma_wait3A_199, %mul3A_0] : memref<256x8x128xf32, #tpu.memory_space<vmem_shared>> -> memref<256x8x8xf32, #tpu.memory_space<vmem_shared>>
      tpu.wait_dma2 semaphore(%arg11 : memref<!tpu.dma_semaphore, #tpu.memory_space<semaphore_mem>>) src(%dma_wait3A_200 : memref<256x8x8xf32, #tpu.memory_space<vmem_shared>>) dst(%dma_wait3A_197 : memref<256x8x8xf32, #tpu.memory_space<vmem>>)
      %barrier3A_201 = arith.constant 0 : index
      tpu.barrier barrier_id(%barrier3A_201)
      %mul3A_202 = arith.constant 16 : i32
      %mul3A_203 = arith.muli %arg1, %mul3A_202 : i32
      %add3A_204 = arith.constant 768 : i32
      %add3A_205 = arith.addi %add3A_204, %mul3A_203 : i32
      %mul3A_206 = arith.constant 16 : i32
      %mul3A_207 = arith.muli %arg1, %mul3A_206 : i32
      %dma_start3A_208 = arith.constant 0 : i32
      %dma_start3A_209 = arith.constant 0 : i32
      %dma_start3A_210 = tpu.memref_slice %arg5[%mul3A_207, %dma_start3A_208, %dma_start3A_209] : memref<256x8x128xf32, #tpu.memory_space<vmem_shared>> -> memref<16x8x128xf32, #tpu.memory_space<vmem_shared>>
      %dma_start3A_211 = arith.constant 0 : i32
      %dma_start3A_212 = arith.constant 0 : i32
      %dma_start3A_213 = tpu.memref_slice %arg2[%select_n3A, %add3A_205, %select_n3A_46, %dma_start3A_211, %dma_start3A_212] : memref<4x1024x8x8x128xf32, #tpu.memory_space<hbm>> -> memref<1x16x1x8x128xf32, #tpu.memory_space<hbm>>
      %dma_start3A_214 = tpu.memref_squeeze %dma_start3A_213 : memref<1x16x1x8x128xf32, #tpu.memory_space<hbm>> -> memref<16x8x128xf32, #tpu.memory_space<hbm>>
      tpu.enqueue_dma source(%dma_start3A_214 : memref<16x8x128xf32, #tpu.memory_space<hbm>>) target(%dma_start3A_210 : memref<16x8x128xf32, #tpu.memory_space<vmem_shared>>) target_semaphore(%arg11 : memref<!tpu.dma_semaphore, #tpu.memory_space<semaphore_mem>>)
      %dma_wait3A_215 = arith.constant 0 : i32
      %dma_wait3A_216 = arith.constant 0 : i32
      %dma_wait3A_217 = tpu.memref_slice %arg5[%mul3A_207, %dma_wait3A_215, %dma_wait3A_216] : memref<256x8x128xf32, #tpu.memory_space<vmem_shared>> -> memref<16x8x128xf32, #tpu.memory_space<vmem_shared>>
      %dma_wait3A_218 = arith.constant 0 : i32
      %dma_wait3A_219 = arith.constant 0 : i32
      %dma_wait3A_220 = tpu.memref_slice %arg2[%select_n3A, %add3A_205, %select_n3A_46, %dma_wait3A_218, %dma_wait3A_219] : memref<4x1024x8x8x128xf32, #tpu.memory_space<hbm>> -> memref<1x16x1x8x128xf32, #tpu.memory_space<hbm>>
      %dma_wait3A_221 = tpu.memref_squeeze %dma_wait3A_220 : memref<1x16x1x8x128xf32, #tpu.memory_space<hbm>> -> memref<16x8x128xf32, #tpu.memory_space<hbm>>
      tpu.wait_dma2 semaphore(%arg11 : memref<!tpu.dma_semaphore, #tpu.memory_space<semaphore_mem>>) src(%dma_wait3A_221 : memref<16x8x128xf32, #tpu.memory_space<hbm>>) dst(%dma_wait3A_217 : memref<16x8x128xf32, #tpu.memory_space<vmem_shared>>)
      %barrier3A_222 = arith.constant 0 : index
      tpu.barrier barrier_id(%barrier3A_222)
      %dma_start3A_223 = arith.constant 768 : i32
      %dma_start3A_224 = arith.constant 0 : i32
      %dma_start3A_225 = arith.constant 0 : i32
      %dma_start3A_226 = tpu.memref_slice %arg6[%dma_start3A_223, %dma_start3A_224, %dma_start3A_225] : memref<1024x8x8xf32, #tpu.memory_space<vmem>> -> memref<256x8x8xf32, #tpu.memory_space<vmem>>
      %dma_start3A_227 = arith.constant 0 : i32
      %dma_start3A_228 = arith.constant 0 : i32
      %dma_start3A_229 = tpu.memref_slice %arg5[%dma_start3A_227, %dma_start3A_228, %mul3A_0] : memref<256x8x128xf32, #tpu.memory_space<vmem_shared>> -> memref<256x8x8xf32, #tpu.memory_space<vmem_shared>>
      %dma_start3A_230 = arith.constant 768 : i32
      %dma_start3A_231 = arith.constant 0 : i32
      %dma_start3A_232 = arith.constant 0 : i32
      %dma_start3A_233 = tpu.memref_slice %arg6[%dma_start3A_230, %dma_start3A_231, %dma_start3A_232] : memref<1024x8x8xf32, #tpu.memory_space<vmem>> -> memref<256x8x8xf32, #tpu.memory_space<vmem>>
      %dma_start3A_234 = arith.constant 0 : i32
      %dma_start3A_235 = arith.constant 0 : i32
      %dma_start3A_236 = tpu.memref_slice %arg5[%dma_start3A_234, %dma_start3A_235, %mul3A_0] : memref<256x8x128xf32, #tpu.memory_space<vmem_shared>> -> memref<256x8x8xf32, #tpu.memory_space<vmem_shared>>
      tpu.enqueue_dma source(%dma_start3A_236 : memref<256x8x8xf32, #tpu.memory_space<vmem_shared>>) target(%dma_start3A_233 : memref<256x8x8xf32, #tpu.memory_space<vmem>>) target_semaphore(%arg11 : memref<!tpu.dma_semaphore, #tpu.memory_space<semaphore_mem>>)
      %dma_wait3A_237 = arith.constant 768 : i32
      %dma_wait3A_238 = arith.constant 0 : i32
      %dma_wait3A_239 = arith.constant 0 : i32
      %dma_wait3A_240 = tpu.memref_slice %arg6[%dma_wait3A_237, %dma_wait3A_238, %dma_wait3A_239] : memref<1024x8x8xf32, #tpu.memory_space<vmem>> -> memref<256x8x8xf32, #tpu.memory_space<vmem>>
      %dma_wait3A_241 = arith.constant 0 : i32
      %dma_wait3A_242 = arith.constant 0 : i32
      %dma_wait3A_243 = tpu.memref_slice %arg5[%dma_wait3A_241, %dma_wait3A_242, %mul3A_0] : memref<256x8x128xf32, #tpu.memory_space<vmem_shared>> -> memref<256x8x8xf32, #tpu.memory_space<vmem_shared>>
      %dma_wait3A_244 = arith.constant 768 : i32
      %dma_wait3A_245 = arith.constant 0 : i32
      %dma_wait3A_246 = arith.constant 0 : i32
      %dma_wait3A_247 = tpu.memref_slice %arg6[%dma_wait3A_244, %dma_wait3A_245, %dma_wait3A_246] : memref<1024x8x8xf32, #tpu.memory_space<vmem>> -> memref<256x8x8xf32, #tpu.memory_space<vmem>>
      %dma_wait3A_248 = arith.constant 0 : i32
      %dma_wait3A_249 = arith.constant 0 : i32
      %dma_wait3A_250 = tpu.memref_slice %arg5[%dma_wait3A_248, %dma_wait3A_249, %mul3A_0] : memref<256x8x128xf32, #tpu.memory_space<vmem_shared>> -> memref<256x8x8xf32, #tpu.memory_space<vmem_shared>>
      tpu.wait_dma2 semaphore(%arg11 : memref<!tpu.dma_semaphore, #tpu.memory_space<semaphore_mem>>) src(%dma_wait3A_250 : memref<256x8x8xf32, #tpu.memory_space<vmem_shared>>) dst(%dma_wait3A_247 : memref<256x8x8xf32, #tpu.memory_space<vmem>>)
      %barrier3A_251 = arith.constant 0 : index
      tpu.barrier barrier_id(%barrier3A_251)
      %dma_wait3A_252 = arith.constant 0 : i32
      %dma_wait3A_253 = arith.constant 0 : i32
      %dma_wait3A_254 = tpu.memref_slice %arg3[%select_n3A, %dma_wait3A_252, %select_n3A_46, %dma_wait3A_253, %mul3A_0] : memref<4x1024x8x8x128xi32, #tpu.memory_space<hbm>> -> memref<1x128x1x8x8xi32, #tpu.memory_space<hbm>>
      %dma_wait3A_255 = tpu.memref_squeeze %dma_wait3A_254 : memref<1x128x1x8x8xi32, #tpu.memory_space<hbm>> -> memref<128x8x8xi32, #tpu.memory_space<hbm>>
      %dma_wait3A_256 = arith.constant 0 : i32
      %dma_wait3A_257 = arith.constant 0 : i32
      %dma_wait3A_258 = tpu.memref_slice %arg3[%select_n3A, %dma_wait3A_256, %select_n3A_46, %dma_wait3A_257, %mul3A_0] : memref<4x1024x8x8x128xi32, #tpu.memory_space<hbm>> -> memref<1x128x1x8x8xi32, #tpu.memory_space<hbm>>
      %dma_wait3A_259 = tpu.memref_squeeze %dma_wait3A_258 : memref<1x128x1x8x8xi32, #tpu.memory_space<hbm>> -> memref<128x8x8xi32, #tpu.memory_space<hbm>>
      tpu.wait_dma2 semaphore(%arg12 : memref<!tpu.dma_semaphore, #tpu.memory_space<semaphore_mem>>) src(%dma_wait3A_259 : memref<128x8x8xi32, #tpu.memory_space<hbm>>) dst(%arg7 : memref<128x8x8xi32, #tpu.memory_space<vmem>>)
      %dma_start3A_260 = arith.constant 128 : i32
      %dma_start3A_261 = arith.constant 0 : i32
      %dma_start3A_262 = tpu.memref_slice %arg3[%select_n3A, %dma_start3A_260, %select_n3A_46, %dma_start3A_261, %mul3A_0] : memref<4x1024x8x8x128xi32, #tpu.memory_space<hbm>> -> memref<1x128x1x8x8xi32, #tpu.memory_space<hbm>>
      %dma_start3A_263 = tpu.memref_squeeze %dma_start3A_262 : memref<1x128x1x8x8xi32, #tpu.memory_space<hbm>> -> memref<128x8x8xi32, #tpu.memory_space<hbm>>
      %dma_start3A_264 = arith.constant 128 : i32
      %dma_start3A_265 = arith.constant 0 : i32
      %dma_start3A_266 = tpu.memref_slice %arg3[%select_n3A, %dma_start3A_264, %select_n3A_46, %dma_start3A_265, %mul3A_0] : memref<4x1024x8x8x128xi32, #tpu.memory_space<hbm>> -> memref<1x128x1x8x8xi32, #tpu.memory_space<hbm>>
      %dma_start3A_267 = tpu.memref_squeeze %dma_start3A_266 : memref<1x128x1x8x8xi32, #tpu.memory_space<hbm>> -> memref<128x8x8xi32, #tpu.memory_space<hbm>>
      tpu.enqueue_dma source(%dma_start3A_267 : memref<128x8x8xi32, #tpu.memory_space<hbm>>) target(%arg8 : memref<128x8x8xi32, #tpu.memory_space<vmem>>) target_semaphore(%arg13 : memref<!tpu.dma_semaphore, #tpu.memory_space<semaphore_mem>>)
      %parallel_loop3A = arith.constant 0 : i32
      %parallel_loop3A_268 = arith.constant 512 : i32
      %parallel_loop3A_269 = arith.constant 1 : i32
      scf.for %parallel_loop3A_523 = %parallel_loop3A to %parallel_loop3A_268 step %parallel_loop3A_269  : i32 {
        %parallel_loop3A_524 = arith.constant 2 : i32
        %parallel_loop3A_525 = arith.muli %parallel_loop3A_524, %parallel_loop3A_523 : i32
        %parallel_loop3A_526 = vector.broadcast %parallel_loop3A_525 : i32 to vector<16xi32>
        %parallel_loop3A_527 = arith.addi %shift_right_arithmetic3A_4, %parallel_loop3A_526 : vector<16xi32>
        %parallel_loop3A_528 = arith.constant 3 : i32
        %parallel_loop3A_529 = vector.broadcast %parallel_loop3A_528 : i32 to vector<16xi32>
        %parallel_loop3A_530 = arith.shrsi %parallel_loop3A_527, %parallel_loop3A_529 : vector<16xi32>
        %parallel_loop3A_531 = arith.constant 7 : i32
        %parallel_loop3A_532 = vector.broadcast %parallel_loop3A_531 : i32 to vector<16xi32>
        %parallel_loop3A_533 = arith.andi %parallel_loop3A_527, %parallel_loop3A_532 : vector<16xi32>
        %parallel_loop3A_534 = tpu.vector_load_idx %arg7[%parallel_loop3A_530, %parallel_loop3A_533, %and3A_2] : memref<128x8x8xi32, #tpu.memory_space<vmem>>[vector<16xi32>, vector<16xi32>, vector<16xi32>], vector<16xi32>,
        %parallel_loop3A_535 = arith.constant 3 : i32
        %parallel_loop3A_536 = vector.broadcast %parallel_loop3A_535 : i32 to vector<16xi32>
        %parallel_loop3A_537 = arith.shrsi %parallel_loop3A_534, %parallel_loop3A_536 : vector<16xi32>
        %parallel_loop3A_538 = arith.constant 7 : i32
        %parallel_loop3A_539 = vector.broadcast %parallel_loop3A_538 : i32 to vector<16xi32>
        %parallel_loop3A_540 = arith.andi %parallel_loop3A_534, %parallel_loop3A_539 : vector<16xi32>
        %parallel_loop3A_541 = tpu.vector_load_idx %arg6[%parallel_loop3A_537, %parallel_loop3A_540, %and3A_2] : memref<1024x8x8xf32, #tpu.memory_space<vmem>>[vector<16xi32>, vector<16xi32>, vector<16xi32>], vector<16xf32>,
        tpu.vector_store_idx %arg9[%parallel_loop3A_530, %parallel_loop3A_533, %and3A_2], %parallel_loop3A_541 : memref<128x8x8xf32, #tpu.memory_space<vmem>>[vector<16xi32>, vector<16xi32>, vector<16xi32>], vector<16xf32>,
      } {sc.loop_unroll_factor = 4 : i64, sc.parallel_access}
      %dma_start3A_270 = arith.constant 0 : i32
      %dma_start3A_271 = arith.constant 0 : i32
      %dma_start3A_272 = tpu.memref_slice %arg4[%select_n3A, %dma_start3A_270, %select_n3A_46, %dma_start3A_271, %mul3A_0] : memref<4x1024x8x8x128xf32, #tpu.memory_space<hbm>> -> memref<1x128x1x8x8xf32, #tpu.memory_space<hbm>>
      %dma_start3A_273 = tpu.memref_squeeze %dma_start3A_272 : memref<1x128x1x8x8xf32, #tpu.memory_space<hbm>> -> memref<128x8x8xf32, #tpu.memory_space<hbm>>
      %dma_start3A_274 = arith.constant 0 : i32
      %dma_start3A_275 = arith.constant 0 : i32
      %dma_start3A_276 = tpu.memref_slice %arg4[%select_n3A, %dma_start3A_274, %select_n3A_46, %dma_start3A_275, %mul3A_0] : memref<4x1024x8x8x128xf32, #tpu.memory_space<hbm>> -> memref<1x128x1x8x8xf32, #tpu.memory_space<hbm>>
      %dma_start3A_277 = tpu.memref_squeeze %dma_start3A_276 : memref<1x128x1x8x8xf32, #tpu.memory_space<hbm>> -> memref<128x8x8xf32, #tpu.memory_space<hbm>>
      tpu.enqueue_dma source(%arg9 : memref<128x8x8xf32, #tpu.memory_space<vmem>>) target(%dma_start3A_277 : memref<128x8x8xf32, #tpu.memory_space<hbm>>) target_semaphore(%arg14 : memref<!tpu.dma_semaphore, #tpu.memory_space<semaphore_mem>>)
      %dma_wait3A_278 = arith.constant 128 : i32
      %dma_wait3A_279 = arith.constant 0 : i32
      %dma_wait3A_280 = tpu.memref_slice %arg3[%select_n3A, %dma_wait3A_278, %select_n3A_46, %dma_wait3A_279, %mul3A_0] : memref<4x1024x8x8x128xi32, #tpu.memory_space<hbm>> -> memref<1x128x1x8x8xi32, #tpu.memory_space<hbm>>
      %dma_wait3A_281 = tpu.memref_squeeze %dma_wait3A_280 : memref<1x128x1x8x8xi32, #tpu.memory_space<hbm>> -> memref<128x8x8xi32, #tpu.memory_space<hbm>>
      %dma_wait3A_282 = arith.constant 128 : i32
      %dma_wait3A_283 = arith.constant 0 : i32
      %dma_wait3A_284 = tpu.memref_slice %arg3[%select_n3A, %dma_wait3A_282, %select_n3A_46, %dma_wait3A_283, %mul3A_0] : memref<4x1024x8x8x128xi32, #tpu.memory_space<hbm>> -> memref<1x128x1x8x8xi32, #tpu.memory_space<hbm>>
      %dma_wait3A_285 = tpu.memref_squeeze %dma_wait3A_284 : memref<1x128x1x8x8xi32, #tpu.memory_space<hbm>> -> memref<128x8x8xi32, #tpu.memory_space<hbm>>
      tpu.wait_dma2 semaphore(%arg13 : memref<!tpu.dma_semaphore, #tpu.memory_space<semaphore_mem>>) src(%dma_wait3A_285 : memref<128x8x8xi32, #tpu.memory_space<hbm>>) dst(%arg8 : memref<128x8x8xi32, #tpu.memory_space<vmem>>)
      %dma_start3A_286 = arith.constant 256 : i32
      %dma_start3A_287 = arith.constant 0 : i32
      %dma_start3A_288 = tpu.memref_slice %arg3[%select_n3A, %dma_start3A_286, %select_n3A_46, %dma_start3A_287, %mul3A_0] : memref<4x1024x8x8x128xi32, #tpu.memory_space<hbm>> -> memref<1x128x1x8x8xi32, #tpu.memory_space<hbm>>
      %dma_start3A_289 = tpu.memref_squeeze %dma_start3A_288 : memref<1x128x1x8x8xi32, #tpu.memory_space<hbm>> -> memref<128x8x8xi32, #tpu.memory_space<hbm>>
      %dma_start3A_290 = arith.constant 256 : i32
      %dma_start3A_291 = arith.constant 0 : i32
      %dma_start3A_292 = tpu.memref_slice %arg3[%select_n3A, %dma_start3A_290, %select_n3A_46, %dma_start3A_291, %mul3A_0] : memref<4x1024x8x8x128xi32, #tpu.memory_space<hbm>> -> memref<1x128x1x8x8xi32, #tpu.memory_space<hbm>>
      %dma_start3A_293 = tpu.memref_squeeze %dma_start3A_292 : memref<1x128x1x8x8xi32, #tpu.memory_space<hbm>> -> memref<128x8x8xi32, #tpu.memory_space<hbm>>
      tpu.enqueue_dma source(%dma_start3A_293 : memref<128x8x8xi32, #tpu.memory_space<hbm>>) target(%arg7 : memref<128x8x8xi32, #tpu.memory_space<vmem>>) target_semaphore(%arg12 : memref<!tpu.dma_semaphore, #tpu.memory_space<semaphore_mem>>)
      %parallel_loop3A_294 = arith.constant 0 : i32
      %parallel_loop3A_295 = arith.constant 512 : i32
      %parallel_loop3A_296 = arith.constant 1 : i32
      scf.for %parallel_loop3A_523 = %parallel_loop3A_294 to %parallel_loop3A_295 step %parallel_loop3A_296  : i32 {
        %parallel_loop3A_524 = arith.constant 2 : i32
        %parallel_loop3A_525 = arith.muli %parallel_loop3A_524, %parallel_loop3A_523 : i32
        %parallel_loop3A_526 = vector.broadcast %parallel_loop3A_525 : i32 to vector<16xi32>
        %parallel_loop3A_527 = arith.addi %shift_right_arithmetic3A_4, %parallel_loop3A_526 : vector<16xi32>
        %parallel_loop3A_528 = arith.constant 3 : i32
        %parallel_loop3A_529 = vector.broadcast %parallel_loop3A_528 : i32 to vector<16xi32>
        %parallel_loop3A_530 = arith.shrsi %parallel_loop3A_527, %parallel_loop3A_529 : vector<16xi32>
        %parallel_loop3A_531 = arith.constant 7 : i32
        %parallel_loop3A_532 = vector.broadcast %parallel_loop3A_531 : i32 to vector<16xi32>
        %parallel_loop3A_533 = arith.andi %parallel_loop3A_527, %parallel_loop3A_532 : vector<16xi32>
        %parallel_loop3A_534 = tpu.vector_load_idx %arg8[%parallel_loop3A_530, %parallel_loop3A_533, %and3A_2] : memref<128x8x8xi32, #tpu.memory_space<vmem>>[vector<16xi32>, vector<16xi32>, vector<16xi32>], vector<16xi32>,
        %parallel_loop3A_535 = arith.constant 3 : i32
        %parallel_loop3A_536 = vector.broadcast %parallel_loop3A_535 : i32 to vector<16xi32>
        %parallel_loop3A_537 = arith.shrsi %parallel_loop3A_534, %parallel_loop3A_536 : vector<16xi32>
        %parallel_loop3A_538 = arith.constant 7 : i32
        %parallel_loop3A_539 = vector.broadcast %parallel_loop3A_538 : i32 to vector<16xi32>
        %parallel_loop3A_540 = arith.andi %parallel_loop3A_534, %parallel_loop3A_539 : vector<16xi32>
        %parallel_loop3A_541 = tpu.vector_load_idx %arg6[%parallel_loop3A_537, %parallel_loop3A_540, %and3A_2] : memref<1024x8x8xf32, #tpu.memory_space<vmem>>[vector<16xi32>, vector<16xi32>, vector<16xi32>], vector<16xf32>,
        tpu.vector_store_idx %arg10[%parallel_loop3A_530, %parallel_loop3A_533, %and3A_2], %parallel_loop3A_541 : memref<128x8x8xf32, #tpu.memory_space<vmem>>[vector<16xi32>, vector<16xi32>, vector<16xi32>], vector<16xf32>,
      } {sc.loop_unroll_factor = 4 : i64, sc.parallel_access}
      %dma_start3A_297 = arith.constant 128 : i32
      %dma_start3A_298 = arith.constant 0 : i32
      %dma_start3A_299 = tpu.memref_slice %arg4[%select_n3A, %dma_start3A_297, %select_n3A_46, %dma_start3A_298, %mul3A_0] : memref<4x1024x8x8x128xf32, #tpu.memory_space<hbm>> -> memref<1x128x1x8x8xf32, #tpu.memory_space<hbm>>
      %dma_start3A_300 = tpu.memref_squeeze %dma_start3A_299 : memref<1x128x1x8x8xf32, #tpu.memory_space<hbm>> -> memref<128x8x8xf32, #tpu.memory_space<hbm>>
      %dma_start3A_301 = arith.constant 128 : i32
      %dma_start3A_302 = arith.constant 0 : i32
      %dma_start3A_303 = tpu.memref_slice %arg4[%select_n3A, %dma_start3A_301, %select_n3A_46, %dma_start3A_302, %mul3A_0] : memref<4x1024x8x8x128xf32, #tpu.memory_space<hbm>> -> memref<1x128x1x8x8xf32, #tpu.memory_space<hbm>>
      %dma_start3A_304 = tpu.memref_squeeze %dma_start3A_303 : memref<1x128x1x8x8xf32, #tpu.memory_space<hbm>> -> memref<128x8x8xf32, #tpu.memory_space<hbm>>
      tpu.enqueue_dma source(%arg10 : memref<128x8x8xf32, #tpu.memory_space<vmem>>) target(%dma_start3A_304 : memref<128x8x8xf32, #tpu.memory_space<hbm>>) target_semaphore(%arg15 : memref<!tpu.dma_semaphore, #tpu.memory_space<semaphore_mem>>)
      %dma_wait3A_305 = arith.constant 256 : i32
      %dma_wait3A_306 = arith.constant 0 : i32
      %dma_wait3A_307 = tpu.memref_slice %arg3[%select_n3A, %dma_wait3A_305, %select_n3A_46, %dma_wait3A_306, %mul3A_0] : memref<4x1024x8x8x128xi32, #tpu.memory_space<hbm>> -> memref<1x128x1x8x8xi32, #tpu.memory_space<hbm>>
      %dma_wait3A_308 = tpu.memref_squeeze %dma_wait3A_307 : memref<1x128x1x8x8xi32, #tpu.memory_space<hbm>> -> memref<128x8x8xi32, #tpu.memory_space<hbm>>
      %dma_wait3A_309 = arith.constant 256 : i32
      %dma_wait3A_310 = arith.constant 0 : i32
      %dma_wait3A_311 = tpu.memref_slice %arg3[%select_n3A, %dma_wait3A_309, %select_n3A_46, %dma_wait3A_310, %mul3A_0] : memref<4x1024x8x8x128xi32, #tpu.memory_space<hbm>> -> memref<1x128x1x8x8xi32, #tpu.memory_space<hbm>>
      %dma_wait3A_312 = tpu.memref_squeeze %dma_wait3A_311 : memref<1x128x1x8x8xi32, #tpu.memory_space<hbm>> -> memref<128x8x8xi32, #tpu.memory_space<hbm>>
      tpu.wait_dma2 semaphore(%arg12 : memref<!tpu.dma_semaphore, #tpu.memory_space<semaphore_mem>>) src(%dma_wait3A_312 : memref<128x8x8xi32, #tpu.memory_space<hbm>>) dst(%arg7 : memref<128x8x8xi32, #tpu.memory_space<vmem>>)
      %dma_start3A_313 = arith.constant 384 : i32
      %dma_start3A_314 = arith.constant 0 : i32
      %dma_start3A_315 = tpu.memref_slice %arg3[%select_n3A, %dma_start3A_313, %select_n3A_46, %dma_start3A_314, %mul3A_0] : memref<4x1024x8x8x128xi32, #tpu.memory_space<hbm>> -> memref<1x128x1x8x8xi32, #tpu.memory_space<hbm>>
      %dma_start3A_316 = tpu.memref_squeeze %dma_start3A_315 : memref<1x128x1x8x8xi32, #tpu.memory_space<hbm>> -> memref<128x8x8xi32, #tpu.memory_space<hbm>>
      %dma_start3A_317 = arith.constant 384 : i32
      %dma_start3A_318 = arith.constant 0 : i32
      %dma_start3A_319 = tpu.memref_slice %arg3[%select_n3A, %dma_start3A_317, %select_n3A_46, %dma_start3A_318, %mul3A_0] : memref<4x1024x8x8x128xi32, #tpu.memory_space<hbm>> -> memref<1x128x1x8x8xi32, #tpu.memory_space<hbm>>
      %dma_start3A_320 = tpu.memref_squeeze %dma_start3A_319 : memref<1x128x1x8x8xi32, #tpu.memory_space<hbm>> -> memref<128x8x8xi32, #tpu.memory_space<hbm>>
      tpu.enqueue_dma source(%dma_start3A_320 : memref<128x8x8xi32, #tpu.memory_space<hbm>>) target(%arg8 : memref<128x8x8xi32, #tpu.memory_space<vmem>>) target_semaphore(%arg13 : memref<!tpu.dma_semaphore, #tpu.memory_space<semaphore_mem>>)
      %dma_wait3A_321 = arith.constant 0 : i32
      %dma_wait3A_322 = arith.constant 0 : i32
      %dma_wait3A_323 = tpu.memref_slice %arg4[%select_n3A, %dma_wait3A_321, %select_n3A_46, %dma_wait3A_322, %mul3A_0] : memref<4x1024x8x8x128xf32, #tpu.memory_space<hbm>> -> memref<1x128x1x8x8xf32, #tpu.memory_space<hbm>>
      %dma_wait3A_324 = tpu.memref_squeeze %dma_wait3A_323 : memref<1x128x1x8x8xf32, #tpu.memory_space<hbm>> -> memref<128x8x8xf32, #tpu.memory_space<hbm>>
      %dma_wait3A_325 = arith.constant 0 : i32
      %dma_wait3A_326 = arith.constant 0 : i32
      %dma_wait3A_327 = tpu.memref_slice %arg4[%select_n3A, %dma_wait3A_325, %select_n3A_46, %dma_wait3A_326, %mul3A_0] : memref<4x1024x8x8x128xf32, #tpu.memory_space<hbm>> -> memref<1x128x1x8x8xf32, #tpu.memory_space<hbm>>
      %dma_wait3A_328 = tpu.memref_squeeze %dma_wait3A_327 : memref<1x128x1x8x8xf32, #tpu.memory_space<hbm>> -> memref<128x8x8xf32, #tpu.memory_space<hbm>>
      tpu.wait_dma2 semaphore(%arg14 : memref<!tpu.dma_semaphore, #tpu.memory_space<semaphore_mem>>) src(%arg9 : memref<128x8x8xf32, #tpu.memory_space<vmem>>) dst(%dma_wait3A_328 : memref<128x8x8xf32, #tpu.memory_space<hbm>>)
      %parallel_loop3A_329 = arith.constant 0 : i32
      %parallel_loop3A_330 = arith.constant 512 : i32
      %parallel_loop3A_331 = arith.constant 1 : i32
      scf.for %parallel_loop3A_523 = %parallel_loop3A_329 to %parallel_loop3A_330 step %parallel_loop3A_331  : i32 {
        %parallel_loop3A_524 = arith.constant 2 : i32
        %parallel_loop3A_525 = arith.muli %parallel_loop3A_524, %parallel_loop3A_523 : i32
        %parallel_loop3A_526 = vector.broadcast %parallel_loop3A_525 : i32 to vector<16xi32>
        %parallel_loop3A_527 = arith.addi %shift_right_arithmetic3A_4, %parallel_loop3A_526 : vector<16xi32>
        %parallel_loop3A_528 = arith.constant 3 : i32
        %parallel_loop3A_529 = vector.broadcast %parallel_loop3A_528 : i32 to vector<16xi32>
        %parallel_loop3A_530 = arith.shrsi %parallel_loop3A_527, %parallel_loop3A_529 : vector<16xi32>
        %parallel_loop3A_531 = arith.constant 7 : i32
        %parallel_loop3A_532 = vector.broadcast %parallel_loop3A_531 : i32 to vector<16xi32>
        %parallel_loop3A_533 = arith.andi %parallel_loop3A_527, %parallel_loop3A_532 : vector<16xi32>
        %parallel_loop3A_534 = tpu.vector_load_idx %arg7[%parallel_loop3A_530, %parallel_loop3A_533, %and3A_2] : memref<128x8x8xi32, #tpu.memory_space<vmem>>[vector<16xi32>, vector<16xi32>, vector<16xi32>], vector<16xi32>,
        %parallel_loop3A_535 = arith.constant 3 : i32
        %parallel_loop3A_536 = vector.broadcast %parallel_loop3A_535 : i32 to vector<16xi32>
        %parallel_loop3A_537 = arith.shrsi %parallel_loop3A_534, %parallel_loop3A_536 : vector<16xi32>
        %parallel_loop3A_538 = arith.constant 7 : i32
        %parallel_loop3A_539 = vector.broadcast %parallel_loop3A_538 : i32 to vector<16xi32>
        %parallel_loop3A_540 = arith.andi %parallel_loop3A_534, %parallel_loop3A_539 : vector<16xi32>
        %parallel_loop3A_541 = tpu.vector_load_idx %arg6[%parallel_loop3A_537, %parallel_loop3A_540, %and3A_2] : memref<1024x8x8xf32, #tpu.memory_space<vmem>>[vector<16xi32>, vector<16xi32>, vector<16xi32>], vector<16xf32>,
        tpu.vector_store_idx %arg9[%parallel_loop3A_530, %parallel_loop3A_533, %and3A_2], %parallel_loop3A_541 : memref<128x8x8xf32, #tpu.memory_space<vmem>>[vector<16xi32>, vector<16xi32>, vector<16xi32>], vector<16xf32>,
      } {sc.loop_unroll_factor = 4 : i64, sc.parallel_access}
      %dma_start3A_332 = arith.constant 256 : i32
      %dma_start3A_333 = arith.constant 0 : i32
      %dma_start3A_334 = tpu.memref_slice %arg4[%select_n3A, %dma_start3A_332, %select_n3A_46, %dma_start3A_333, %mul3A_0] : memref<4x1024x8x8x128xf32, #tpu.memory_space<hbm>> -> memref<1x128x1x8x8xf32, #tpu.memory_space<hbm>>
      %dma_start3A_335 = tpu.memref_squeeze %dma_start3A_334 : memref<1x128x1x8x8xf32, #tpu.memory_space<hbm>> -> memref<128x8x8xf32, #tpu.memory_space<hbm>>
      %dma_start3A_336 = arith.constant 256 : i32
      %dma_start3A_337 = arith.constant 0 : i32
      %dma_start3A_338 = tpu.memref_slice %arg4[%select_n3A, %dma_start3A_336, %select_n3A_46, %dma_start3A_337, %mul3A_0] : memref<4x1024x8x8x128xf32, #tpu.memory_space<hbm>> -> memref<1x128x1x8x8xf32, #tpu.memory_space<hbm>>
      %dma_start3A_339 = tpu.memref_squeeze %dma_start3A_338 : memref<1x128x1x8x8xf32, #tpu.memory_space<hbm>> -> memref<128x8x8xf32, #tpu.memory_space<hbm>>
      tpu.enqueue_dma source(%arg9 : memref<128x8x8xf32, #tpu.memory_space<vmem>>) target(%dma_start3A_339 : memref<128x8x8xf32, #tpu.memory_space<hbm>>) target_semaphore(%arg14 : memref<!tpu.dma_semaphore, #tpu.memory_space<semaphore_mem>>)
      %dma_wait3A_340 = arith.constant 384 : i32
      %dma_wait3A_341 = arith.constant 0 : i32
      %dma_wait3A_342 = tpu.memref_slice %arg3[%select_n3A, %dma_wait3A_340, %select_n3A_46, %dma_wait3A_341, %mul3A_0] : memref<4x1024x8x8x128xi32, #tpu.memory_space<hbm>> -> memref<1x128x1x8x8xi32, #tpu.memory_space<hbm>>
      %dma_wait3A_343 = tpu.memref_squeeze %dma_wait3A_342 : memref<1x128x1x8x8xi32, #tpu.memory_space<hbm>> -> memref<128x8x8xi32, #tpu.memory_space<hbm>>
      %dma_wait3A_344 = arith.constant 384 : i32
      %dma_wait3A_345 = arith.constant 0 : i32
      %dma_wait3A_346 = tpu.memref_slice %arg3[%select_n3A, %dma_wait3A_344, %select_n3A_46, %dma_wait3A_345, %mul3A_0] : memref<4x1024x8x8x128xi32, #tpu.memory_space<hbm>> -> memref<1x128x1x8x8xi32, #tpu.memory_space<hbm>>
      %dma_wait3A_347 = tpu.memref_squeeze %dma_wait3A_346 : memref<1x128x1x8x8xi32, #tpu.memory_space<hbm>> -> memref<128x8x8xi32, #tpu.memory_space<hbm>>
      tpu.wait_dma2 semaphore(%arg13 : memref<!tpu.dma_semaphore, #tpu.memory_space<semaphore_mem>>) src(%dma_wait3A_347 : memref<128x8x8xi32, #tpu.memory_space<hbm>>) dst(%arg8 : memref<128x8x8xi32, #tpu.memory_space<vmem>>)
      %dma_start3A_348 = arith.constant 512 : i32
      %dma_start3A_349 = arith.constant 0 : i32
      %dma_start3A_350 = tpu.memref_slice %arg3[%select_n3A, %dma_start3A_348, %select_n3A_46, %dma_start3A_349, %mul3A_0] : memref<4x1024x8x8x128xi32, #tpu.memory_space<hbm>> -> memref<1x128x1x8x8xi32, #tpu.memory_space<hbm>>
      %dma_start3A_351 = tpu.memref_squeeze %dma_start3A_350 : memref<1x128x1x8x8xi32, #tpu.memory_space<hbm>> -> memref<128x8x8xi32, #tpu.memory_space<hbm>>
      %dma_start3A_352 = arith.constant 512 : i32
      %dma_start3A_353 = arith.constant 0 : i32
      %dma_start3A_354 = tpu.memref_slice %arg3[%select_n3A, %dma_start3A_352, %select_n3A_46, %dma_start3A_353, %mul3A_0] : memref<4x1024x8x8x128xi32, #tpu.memory_space<hbm>> -> memref<1x128x1x8x8xi32, #tpu.memory_space<hbm>>
      %dma_start3A_355 = tpu.memref_squeeze %dma_start3A_354 : memref<1x128x1x8x8xi32, #tpu.memory_space<hbm>> -> memref<128x8x8xi32, #tpu.memory_space<hbm>>
      tpu.enqueue_dma source(%dma_start3A_355 : memref<128x8x8xi32, #tpu.memory_space<hbm>>) target(%arg7 : memref<128x8x8xi32, #tpu.memory_space<vmem>>) target_semaphore(%arg12 : memref<!tpu.dma_semaphore, #tpu.memory_space<semaphore_mem>>)
      %dma_wait3A_356 = arith.constant 128 : i32
      %dma_wait3A_357 = arith.constant 0 : i32
      %dma_wait3A_358 = tpu.memref_slice %arg4[%select_n3A, %dma_wait3A_356, %select_n3A_46, %dma_wait3A_357, %mul3A_0] : memref<4x1024x8x8x128xf32, #tpu.memory_space<hbm>> -> memref<1x128x1x8x8xf32, #tpu.memory_space<hbm>>
      %dma_wait3A_359 = tpu.memref_squeeze %dma_wait3A_358 : memref<1x128x1x8x8xf32, #tpu.memory_space<hbm>> -> memref<128x8x8xf32, #tpu.memory_space<hbm>>
      %dma_wait3A_360 = arith.constant 128 : i32
      %dma_wait3A_361 = arith.constant 0 : i32
      %dma_wait3A_362 = tpu.memref_slice %arg4[%select_n3A, %dma_wait3A_360, %select_n3A_46, %dma_wait3A_361, %mul3A_0] : memref<4x1024x8x8x128xf32, #tpu.memory_space<hbm>> -> memref<1x128x1x8x8xf32, #tpu.memory_space<hbm>>
      %dma_wait3A_363 = tpu.memref_squeeze %dma_wait3A_362 : memref<1x128x1x8x8xf32, #tpu.memory_space<hbm>> -> memref<128x8x8xf32, #tpu.memory_space<hbm>>
      tpu.wait_dma2 semaphore(%arg15 : memref<!tpu.dma_semaphore, #tpu.memory_space<semaphore_mem>>) src(%arg10 : memref<128x8x8xf32, #tpu.memory_space<vmem>>) dst(%dma_wait3A_363 : memref<128x8x8xf32, #tpu.memory_space<hbm>>)
      %parallel_loop3A_364 = arith.constant 0 : i32
      %parallel_loop3A_365 = arith.constant 512 : i32
      %parallel_loop3A_366 = arith.constant 1 : i32
      scf.for %parallel_loop3A_523 = %parallel_loop3A_364 to %parallel_loop3A_365 step %parallel_loop3A_366  : i32 {
        %parallel_loop3A_524 = arith.constant 2 : i32
        %parallel_loop3A_525 = arith.muli %parallel_loop3A_524, %parallel_loop3A_523 : i32
        %parallel_loop3A_526 = vector.broadcast %parallel_loop3A_525 : i32 to vector<16xi32>
        %parallel_loop3A_527 = arith.addi %shift_right_arithmetic3A_4, %parallel_loop3A_526 : vector<16xi32>
        %parallel_loop3A_528 = arith.constant 3 : i32
        %parallel_loop3A_529 = vector.broadcast %parallel_loop3A_528 : i32 to vector<16xi32>
        %parallel_loop3A_530 = arith.shrsi %parallel_loop3A_527, %parallel_loop3A_529 : vector<16xi32>
        %parallel_loop3A_531 = arith.constant 7 : i32
        %parallel_loop3A_532 = vector.broadcast %parallel_loop3A_531 : i32 to vector<16xi32>
        %parallel_loop3A_533 = arith.andi %parallel_loop3A_527, %parallel_loop3A_532 : vector<16xi32>
        %parallel_loop3A_534 = tpu.vector_load_idx %arg8[%parallel_loop3A_530, %parallel_loop3A_533, %and3A_2] : memref<128x8x8xi32, #tpu.memory_space<vmem>>[vector<16xi32>, vector<16xi32>, vector<16xi32>], vector<16xi32>,
        %parallel_loop3A_535 = arith.constant 3 : i32
        %parallel_loop3A_536 = vector.broadcast %parallel_loop3A_535 : i32 to vector<16xi32>
        %parallel_loop3A_537 = arith.shrsi %parallel_loop3A_534, %parallel_loop3A_536 : vector<16xi32>
        %parallel_loop3A_538 = arith.constant 7 : i32
        %parallel_loop3A_539 = vector.broadcast %parallel_loop3A_538 : i32 to vector<16xi32>
        %parallel_loop3A_540 = arith.andi %parallel_loop3A_534, %parallel_loop3A_539 : vector<16xi32>
        %parallel_loop3A_541 = tpu.vector_load_idx %arg6[%parallel_loop3A_537, %parallel_loop3A_540, %and3A_2] : memref<1024x8x8xf32, #tpu.memory_space<vmem>>[vector<16xi32>, vector<16xi32>, vector<16xi32>], vector<16xf32>,
        tpu.vector_store_idx %arg10[%parallel_loop3A_530, %parallel_loop3A_533, %and3A_2], %parallel_loop3A_541 : memref<128x8x8xf32, #tpu.memory_space<vmem>>[vector<16xi32>, vector<16xi32>, vector<16xi32>], vector<16xf32>,
      } {sc.loop_unroll_factor = 4 : i64, sc.parallel_access}
      %dma_start3A_367 = arith.constant 384 : i32
      %dma_start3A_368 = arith.constant 0 : i32
      %dma_start3A_369 = tpu.memref_slice %arg4[%select_n3A, %dma_start3A_367, %select_n3A_46, %dma_start3A_368, %mul3A_0] : memref<4x1024x8x8x128xf32, #tpu.memory_space<hbm>> -> memref<1x128x1x8x8xf32, #tpu.memory_space<hbm>>
      %dma_start3A_370 = tpu.memref_squeeze %dma_start3A_369 : memref<1x128x1x8x8xf32, #tpu.memory_space<hbm>> -> memref<128x8x8xf32, #tpu.memory_space<hbm>>
      %dma_start3A_371 = arith.constant 384 : i32
      %dma_start3A_372 = arith.constant 0 : i32
      %dma_start3A_373 = tpu.memref_slice %arg4[%select_n3A, %dma_start3A_371, %select_n3A_46, %dma_start3A_372, %mul3A_0] : memref<4x1024x8x8x128xf32, #tpu.memory_space<hbm>> -> memref<1x128x1x8x8xf32, #tpu.memory_space<hbm>>
      %dma_start3A_374 = tpu.memref_squeeze %dma_start3A_373 : memref<1x128x1x8x8xf32, #tpu.memory_space<hbm>> -> memref<128x8x8xf32, #tpu.memory_space<hbm>>
      tpu.enqueue_dma source(%arg10 : memref<128x8x8xf32, #tpu.memory_space<vmem>>) target(%dma_start3A_374 : memref<128x8x8xf32, #tpu.memory_space<hbm>>) target_semaphore(%arg15 : memref<!tpu.dma_semaphore, #tpu.memory_space<semaphore_mem>>)
      %dma_wait3A_375 = arith.constant 512 : i32
      %dma_wait3A_376 = arith.constant 0 : i32
      %dma_wait3A_377 = tpu.memref_slice %arg3[%select_n3A, %dma_wait3A_375, %select_n3A_46, %dma_wait3A_376, %mul3A_0] : memref<4x1024x8x8x128xi32, #tpu.memory_space<hbm>> -> memref<1x128x1x8x8xi32, #tpu.memory_space<hbm>>
      %dma_wait3A_378 = tpu.memref_squeeze %dma_wait3A_377 : memref<1x128x1x8x8xi32, #tpu.memory_space<hbm>> -> memref<128x8x8xi32, #tpu.memory_space<hbm>>
      %dma_wait3A_379 = arith.constant 512 : i32
      %dma_wait3A_380 = arith.constant 0 : i32
      %dma_wait3A_381 = tpu.memref_slice %arg3[%select_n3A, %dma_wait3A_379, %select_n3A_46, %dma_wait3A_380, %mul3A_0] : memref<4x1024x8x8x128xi32, #tpu.memory_space<hbm>> -> memref<1x128x1x8x8xi32, #tpu.memory_space<hbm>>
      %dma_wait3A_382 = tpu.memref_squeeze %dma_wait3A_381 : memref<1x128x1x8x8xi32, #tpu.memory_space<hbm>> -> memref<128x8x8xi32, #tpu.memory_space<hbm>>
      tpu.wait_dma2 semaphore(%arg12 : memref<!tpu.dma_semaphore, #tpu.memory_space<semaphore_mem>>) src(%dma_wait3A_382 : memref<128x8x8xi32, #tpu.memory_space<hbm>>) dst(%arg7 : memref<128x8x8xi32, #tpu.memory_space<vmem>>)
      %dma_start3A_383 = arith.constant 640 : i32
      %dma_start3A_384 = arith.constant 0 : i32
      %dma_start3A_385 = tpu.memref_slice %arg3[%select_n3A, %dma_start3A_383, %select_n3A_46, %dma_start3A_384, %mul3A_0] : memref<4x1024x8x8x128xi32, #tpu.memory_space<hbm>> -> memref<1x128x1x8x8xi32, #tpu.memory_space<hbm>>
      %dma_start3A_386 = tpu.memref_squeeze %dma_start3A_385 : memref<1x128x1x8x8xi32, #tpu.memory_space<hbm>> -> memref<128x8x8xi32, #tpu.memory_space<hbm>>
      %dma_start3A_387 = arith.constant 640 : i32
      %dma_start3A_388 = arith.constant 0 : i32
      %dma_start3A_389 = tpu.memref_slice %arg3[%select_n3A, %dma_start3A_387, %select_n3A_46, %dma_start3A_388, %mul3A_0] : memref<4x1024x8x8x128xi32, #tpu.memory_space<hbm>> -> memref<1x128x1x8x8xi32, #tpu.memory_space<hbm>>
      %dma_start3A_390 = tpu.memref_squeeze %dma_start3A_389 : memref<1x128x1x8x8xi32, #tpu.memory_space<hbm>> -> memref<128x8x8xi32, #tpu.memory_space<hbm>>
      tpu.enqueue_dma source(%dma_start3A_390 : memref<128x8x8xi32, #tpu.memory_space<hbm>>) target(%arg8 : memref<128x8x8xi32, #tpu.memory_space<vmem>>) target_semaphore(%arg13 : memref<!tpu.dma_semaphore, #tpu.memory_space<semaphore_mem>>)
      %dma_wait3A_391 = arith.constant 256 : i32
      %dma_wait3A_392 = arith.constant 0 : i32
      %dma_wait3A_393 = tpu.memref_slice %arg4[%select_n3A, %dma_wait3A_391, %select_n3A_46, %dma_wait3A_392, %mul3A_0] : memref<4x1024x8x8x128xf32, #tpu.memory_space<hbm>> -> memref<1x128x1x8x8xf32, #tpu.memory_space<hbm>>
      %dma_wait3A_394 = tpu.memref_squeeze %dma_wait3A_393 : memref<1x128x1x8x8xf32, #tpu.memory_space<hbm>> -> memref<128x8x8xf32, #tpu.memory_space<hbm>>
      %dma_wait3A_395 = arith.constant 256 : i32
      %dma_wait3A_396 = arith.constant 0 : i32
      %dma_wait3A_397 = tpu.memref_slice %arg4[%select_n3A, %dma_wait3A_395, %select_n3A_46, %dma_wait3A_396, %mul3A_0] : memref<4x1024x8x8x128xf32, #tpu.memory_space<hbm>> -> memref<1x128x1x8x8xf32, #tpu.memory_space<hbm>>
      %dma_wait3A_398 = tpu.memref_squeeze %dma_wait3A_397 : memref<1x128x1x8x8xf32, #tpu.memory_space<hbm>> -> memref<128x8x8xf32, #tpu.memory_space<hbm>>
      tpu.wait_dma2 semaphore(%arg14 : memref<!tpu.dma_semaphore, #tpu.memory_space<semaphore_mem>>) src(%arg9 : memref<128x8x8xf32, #tpu.memory_space<vmem>>) dst(%dma_wait3A_398 : memref<128x8x8xf32, #tpu.memory_space<hbm>>)
      %parallel_loop3A_399 = arith.constant 0 : i32
      %parallel_loop3A_400 = arith.constant 512 : i32
      %parallel_loop3A_401 = arith.constant 1 : i32
      scf.for %parallel_loop3A_523 = %parallel_loop3A_399 to %parallel_loop3A_400 step %parallel_loop3A_401  : i32 {
        %parallel_loop3A_524 = arith.constant 2 : i32
        %parallel_loop3A_525 = arith.muli %parallel_loop3A_524, %parallel_loop3A_523 : i32
        %parallel_loop3A_526 = vector.broadcast %parallel_loop3A_525 : i32 to vector<16xi32>
        %parallel_loop3A_527 = arith.addi %shift_right_arithmetic3A_4, %parallel_loop3A_526 : vector<16xi32>
        %parallel_loop3A_528 = arith.constant 3 : i32
        %parallel_loop3A_529 = vector.broadcast %parallel_loop3A_528 : i32 to vector<16xi32>
        %parallel_loop3A_530 = arith.shrsi %parallel_loop3A_527, %parallel_loop3A_529 : vector<16xi32>
        %parallel_loop3A_531 = arith.constant 7 : i32
        %parallel_loop3A_532 = vector.broadcast %parallel_loop3A_531 : i32 to vector<16xi32>
        %parallel_loop3A_533 = arith.andi %parallel_loop3A_527, %parallel_loop3A_532 : vector<16xi32>
        %parallel_loop3A_534 = tpu.vector_load_idx %arg7[%parallel_loop3A_530, %parallel_loop3A_533, %and3A_2] : memref<128x8x8xi32, #tpu.memory_space<vmem>>[vector<16xi32>, vector<16xi32>, vector<16xi32>], vector<16xi32>,
        %parallel_loop3A_535 = arith.constant 3 : i32
        %parallel_loop3A_536 = vector.broadcast %parallel_loop3A_535 : i32 to vector<16xi32>
        %parallel_loop3A_537 = arith.shrsi %parallel_loop3A_534, %parallel_loop3A_536 : vector<16xi32>
        %parallel_loop3A_538 = arith.constant 7 : i32
        %parallel_loop3A_539 = vector.broadcast %parallel_loop3A_538 : i32 to vector<16xi32>
        %parallel_loop3A_540 = arith.andi %parallel_loop3A_534, %parallel_loop3A_539 : vector<16xi32>
        %parallel_loop3A_541 = tpu.vector_load_idx %arg6[%parallel_loop3A_537, %parallel_loop3A_540, %and3A_2] : memref<1024x8x8xf32, #tpu.memory_space<vmem>>[vector<16xi32>, vector<16xi32>, vector<16xi32>], vector<16xf32>,
        tpu.vector_store_idx %arg9[%parallel_loop3A_530, %parallel_loop3A_533, %and3A_2], %parallel_loop3A_541 : memref<128x8x8xf32, #tpu.memory_space<vmem>>[vector<16xi32>, vector<16xi32>, vector<16xi32>], vector<16xf32>,
      } {sc.loop_unroll_factor = 4 : i64, sc.parallel_access}
      %dma_start3A_402 = arith.constant 512 : i32
      %dma_start3A_403 = arith.constant 0 : i32
      %dma_start3A_404 = tpu.memref_slice %arg4[%select_n3A, %dma_start3A_402, %select_n3A_46, %dma_start3A_403, %mul3A_0] : memref<4x1024x8x8x128xf32, #tpu.memory_space<hbm>> -> memref<1x128x1x8x8xf32, #tpu.memory_space<hbm>>
      %dma_start3A_405 = tpu.memref_squeeze %dma_start3A_404 : memref<1x128x1x8x8xf32, #tpu.memory_space<hbm>> -> memref<128x8x8xf32, #tpu.memory_space<hbm>>
      %dma_start3A_406 = arith.constant 512 : i32
      %dma_start3A_407 = arith.constant 0 : i32
      %dma_start3A_408 = tpu.memref_slice %arg4[%select_n3A, %dma_start3A_406, %select_n3A_46, %dma_start3A_407, %mul3A_0] : memref<4x1024x8x8x128xf32, #tpu.memory_space<hbm>> -> memref<1x128x1x8x8xf32, #tpu.memory_space<hbm>>
      %dma_start3A_409 = tpu.memref_squeeze %dma_start3A_408 : memref<1x128x1x8x8xf32, #tpu.memory_space<hbm>> -> memref<128x8x8xf32, #tpu.memory_space<hbm>>
      tpu.enqueue_dma source(%arg9 : memref<128x8x8xf32, #tpu.memory_space<vmem>>) target(%dma_start3A_409 : memref<128x8x8xf32, #tpu.memory_space<hbm>>) target_semaphore(%arg14 : memref<!tpu.dma_semaphore, #tpu.memory_space<semaphore_mem>>)
      %dma_wait3A_410 = arith.constant 640 : i32
      %dma_wait3A_411 = arith.constant 0 : i32
      %dma_wait3A_412 = tpu.memref_slice %arg3[%select_n3A, %dma_wait3A_410, %select_n3A_46, %dma_wait3A_411, %mul3A_0] : memref<4x1024x8x8x128xi32, #tpu.memory_space<hbm>> -> memref<1x128x1x8x8xi32, #tpu.memory_space<hbm>>
      %dma_wait3A_413 = tpu.memref_squeeze %dma_wait3A_412 : memref<1x128x1x8x8xi32, #tpu.memory_space<hbm>> -> memref<128x8x8xi32, #tpu.memory_space<hbm>>
      %dma_wait3A_414 = arith.constant 640 : i32
      %dma_wait3A_415 = arith.constant 0 : i32
      %dma_wait3A_416 = tpu.memref_slice %arg3[%select_n3A, %dma_wait3A_414, %select_n3A_46, %dma_wait3A_415, %mul3A_0] : memref<4x1024x8x8x128xi32, #tpu.memory_space<hbm>> -> memref<1x128x1x8x8xi32, #tpu.memory_space<hbm>>
      %dma_wait3A_417 = tpu.memref_squeeze %dma_wait3A_416 : memref<1x128x1x8x8xi32, #tpu.memory_space<hbm>> -> memref<128x8x8xi32, #tpu.memory_space<hbm>>
      tpu.wait_dma2 semaphore(%arg13 : memref<!tpu.dma_semaphore, #tpu.memory_space<semaphore_mem>>) src(%dma_wait3A_417 : memref<128x8x8xi32, #tpu.memory_space<hbm>>) dst(%arg8 : memref<128x8x8xi32, #tpu.memory_space<vmem>>)
      %dma_start3A_418 = arith.constant 768 : i32
      %dma_start3A_419 = arith.constant 0 : i32
      %dma_start3A_420 = tpu.memref_slice %arg3[%select_n3A, %dma_start3A_418, %select_n3A_46, %dma_start3A_419, %mul3A_0] : memref<4x1024x8x8x128xi32, #tpu.memory_space<hbm>> -> memref<1x128x1x8x8xi32, #tpu.memory_space<hbm>>
      %dma_start3A_421 = tpu.memref_squeeze %dma_start3A_420 : memref<1x128x1x8x8xi32, #tpu.memory_space<hbm>> -> memref<128x8x8xi32, #tpu.memory_space<hbm>>
      %dma_start3A_422 = arith.constant 768 : i32
      %dma_start3A_423 = arith.constant 0 : i32
      %dma_start3A_424 = tpu.memref_slice %arg3[%select_n3A, %dma_start3A_422, %select_n3A_46, %dma_start3A_423, %mul3A_0] : memref<4x1024x8x8x128xi32, #tpu.memory_space<hbm>> -> memref<1x128x1x8x8xi32, #tpu.memory_space<hbm>>
      %dma_start3A_425 = tpu.memref_squeeze %dma_start3A_424 : memref<1x128x1x8x8xi32, #tpu.memory_space<hbm>> -> memref<128x8x8xi32, #tpu.memory_space<hbm>>
      tpu.enqueue_dma source(%dma_start3A_425 : memref<128x8x8xi32, #tpu.memory_space<hbm>>) target(%arg7 : memref<128x8x8xi32, #tpu.memory_space<vmem>>) target_semaphore(%arg12 : memref<!tpu.dma_semaphore, #tpu.memory_space<semaphore_mem>>)
      %dma_wait3A_426 = arith.constant 384 : i32
      %dma_wait3A_427 = arith.constant 0 : i32
      %dma_wait3A_428 = tpu.memref_slice %arg4[%select_n3A, %dma_wait3A_426, %select_n3A_46, %dma_wait3A_427, %mul3A_0] : memref<4x1024x8x8x128xf32, #tpu.memory_space<hbm>> -> memref<1x128x1x8x8xf32, #tpu.memory_space<hbm>>
      %dma_wait3A_429 = tpu.memref_squeeze %dma_wait3A_428 : memref<1x128x1x8x8xf32, #tpu.memory_space<hbm>> -> memref<128x8x8xf32, #tpu.memory_space<hbm>>
      %dma_wait3A_430 = arith.constant 384 : i32
      %dma_wait3A_431 = arith.constant 0 : i32
      %dma_wait3A_432 = tpu.memref_slice %arg4[%select_n3A, %dma_wait3A_430, %select_n3A_46, %dma_wait3A_431, %mul3A_0] : memref<4x1024x8x8x128xf32, #tpu.memory_space<hbm>> -> memref<1x128x1x8x8xf32, #tpu.memory_space<hbm>>
      %dma_wait3A_433 = tpu.memref_squeeze %dma_wait3A_432 : memref<1x128x1x8x8xf32, #tpu.memory_space<hbm>> -> memref<128x8x8xf32, #tpu.memory_space<hbm>>
      tpu.wait_dma2 semaphore(%arg15 : memref<!tpu.dma_semaphore, #tpu.memory_space<semaphore_mem>>) src(%arg10 : memref<128x8x8xf32, #tpu.memory_space<vmem>>) dst(%dma_wait3A_433 : memref<128x8x8xf32, #tpu.memory_space<hbm>>)
      %parallel_loop3A_434 = arith.constant 0 : i32
      %parallel_loop3A_435 = arith.constant 512 : i32
      %parallel_loop3A_436 = arith.constant 1 : i32
      scf.for %parallel_loop3A_523 = %parallel_loop3A_434 to %parallel_loop3A_435 step %parallel_loop3A_436  : i32 {
        %parallel_loop3A_524 = arith.constant 2 : i32
        %parallel_loop3A_525 = arith.muli %parallel_loop3A_524, %parallel_loop3A_523 : i32
        %parallel_loop3A_526 = vector.broadcast %parallel_loop3A_525 : i32 to vector<16xi32>
        %parallel_loop3A_527 = arith.addi %shift_right_arithmetic3A_4, %parallel_loop3A_526 : vector<16xi32>
        %parallel_loop3A_528 = arith.constant 3 : i32
        %parallel_loop3A_529 = vector.broadcast %parallel_loop3A_528 : i32 to vector<16xi32>
        %parallel_loop3A_530 = arith.shrsi %parallel_loop3A_527, %parallel_loop3A_529 : vector<16xi32>
        %parallel_loop3A_531 = arith.constant 7 : i32
        %parallel_loop3A_532 = vector.broadcast %parallel_loop3A_531 : i32 to vector<16xi32>
        %parallel_loop3A_533 = arith.andi %parallel_loop3A_527, %parallel_loop3A_532 : vector<16xi32>
        %parallel_loop3A_534 = tpu.vector_load_idx %arg8[%parallel_loop3A_530, %parallel_loop3A_533, %and3A_2] : memref<128x8x8xi32, #tpu.memory_space<vmem>>[vector<16xi32>, vector<16xi32>, vector<16xi32>], vector<16xi32>,
        %parallel_loop3A_535 = arith.constant 3 : i32
        %parallel_loop3A_536 = vector.broadcast %parallel_loop3A_535 : i32 to vector<16xi32>
        %parallel_loop3A_537 = arith.shrsi %parallel_loop3A_534, %parallel_loop3A_536 : vector<16xi32>
        %parallel_loop3A_538 = arith.constant 7 : i32
        %parallel_loop3A_539 = vector.broadcast %parallel_loop3A_538 : i32 to vector<16xi32>
        %parallel_loop3A_540 = arith.andi %parallel_loop3A_534, %parallel_loop3A_539 : vector<16xi32>
        %parallel_loop3A_541 = tpu.vector_load_idx %arg6[%parallel_loop3A_537, %parallel_loop3A_540, %and3A_2] : memref<1024x8x8xf32, #tpu.memory_space<vmem>>[vector<16xi32>, vector<16xi32>, vector<16xi32>], vector<16xf32>,
        tpu.vector_store_idx %arg10[%parallel_loop3A_530, %parallel_loop3A_533, %and3A_2], %parallel_loop3A_541 : memref<128x8x8xf32, #tpu.memory_space<vmem>>[vector<16xi32>, vector<16xi32>, vector<16xi32>], vector<16xf32>,
      } {sc.loop_unroll_factor = 4 : i64, sc.parallel_access}
      %dma_start3A_437 = arith.constant 640 : i32
      %dma_start3A_438 = arith.constant 0 : i32
      %dma_start3A_439 = tpu.memref_slice %arg4[%select_n3A, %dma_start3A_437, %select_n3A_46, %dma_start3A_438, %mul3A_0] : memref<4x1024x8x8x128xf32, #tpu.memory_space<hbm>> -> memref<1x128x1x8x8xf32, #tpu.memory_space<hbm>>
      %dma_start3A_440 = tpu.memref_squeeze %dma_start3A_439 : memref<1x128x1x8x8xf32, #tpu.memory_space<hbm>> -> memref<128x8x8xf32, #tpu.memory_space<hbm>>
      %dma_start3A_441 = arith.constant 640 : i32
      %dma_start3A_442 = arith.constant 0 : i32
      %dma_start3A_443 = tpu.memref_slice %arg4[%select_n3A, %dma_start3A_441, %select_n3A_46, %dma_start3A_442, %mul3A_0] : memref<4x1024x8x8x128xf32, #tpu.memory_space<hbm>> -> memref<1x128x1x8x8xf32, #tpu.memory_space<hbm>>
      %dma_start3A_444 = tpu.memref_squeeze %dma_start3A_443 : memref<1x128x1x8x8xf32, #tpu.memory_space<hbm>> -> memref<128x8x8xf32, #tpu.memory_space<hbm>>
      tpu.enqueue_dma source(%arg10 : memref<128x8x8xf32, #tpu.memory_space<vmem>>) target(%dma_start3A_444 : memref<128x8x8xf32, #tpu.memory_space<hbm>>) target_semaphore(%arg15 : memref<!tpu.dma_semaphore, #tpu.memory_space<semaphore_mem>>)
      %dma_wait3A_445 = arith.constant 768 : i32
      %dma_wait3A_446 = arith.constant 0 : i32
      %dma_wait3A_447 = tpu.memref_slice %arg3[%select_n3A, %dma_wait3A_445, %select_n3A_46, %dma_wait3A_446, %mul3A_0] : memref<4x1024x8x8x128xi32, #tpu.memory_space<hbm>> -> memref<1x128x1x8x8xi32, #tpu.memory_space<hbm>>
      %dma_wait3A_448 = tpu.memref_squeeze %dma_wait3A_447 : memref<1x128x1x8x8xi32, #tpu.memory_space<hbm>> -> memref<128x8x8xi32, #tpu.memory_space<hbm>>
      %dma_wait3A_449 = arith.constant 768 : i32
      %dma_wait3A_450 = arith.constant 0 : i32
      %dma_wait3A_451 = tpu.memref_slice %arg3[%select_n3A, %dma_wait3A_449, %select_n3A_46, %dma_wait3A_450, %mul3A_0] : memref<4x1024x8x8x128xi32, #tpu.memory_space<hbm>> -> memref<1x128x1x8x8xi32, #tpu.memory_space<hbm>>
      %dma_wait3A_452 = tpu.memref_squeeze %dma_wait3A_451 : memref<1x128x1x8x8xi32, #tpu.memory_space<hbm>> -> memref<128x8x8xi32, #tpu.memory_space<hbm>>
      tpu.wait_dma2 semaphore(%arg12 : memref<!tpu.dma_semaphore, #tpu.memory_space<semaphore_mem>>) src(%dma_wait3A_452 : memref<128x8x8xi32, #tpu.memory_space<hbm>>) dst(%arg7 : memref<128x8x8xi32, #tpu.memory_space<vmem>>)
      %dma_start3A_453 = arith.constant 896 : i32
      %dma_start3A_454 = arith.constant 0 : i32
      %dma_start3A_455 = tpu.memref_slice %arg3[%select_n3A, %dma_start3A_453, %select_n3A_46, %dma_start3A_454, %mul3A_0] : memref<4x1024x8x8x128xi32, #tpu.memory_space<hbm>> -> memref<1x128x1x8x8xi32, #tpu.memory_space<hbm>>
      %dma_start3A_456 = tpu.memref_squeeze %dma_start3A_455 : memref<1x128x1x8x8xi32, #tpu.memory_space<hbm>> -> memref<128x8x8xi32, #tpu.memory_space<hbm>>
      %dma_start3A_457 = arith.constant 896 : i32
      %dma_start3A_458 = arith.constant 0 : i32
      %dma_start3A_459 = tpu.memref_slice %arg3[%select_n3A, %dma_start3A_457, %select_n3A_46, %dma_start3A_458, %mul3A_0] : memref<4x1024x8x8x128xi32, #tpu.memory_space<hbm>> -> memref<1x128x1x8x8xi32, #tpu.memory_space<hbm>>
      %dma_start3A_460 = tpu.memref_squeeze %dma_start3A_459 : memref<1x128x1x8x8xi32, #tpu.memory_space<hbm>> -> memref<128x8x8xi32, #tpu.memory_space<hbm>>
      tpu.enqueue_dma source(%dma_start3A_460 : memref<128x8x8xi32, #tpu.memory_space<hbm>>) target(%arg8 : memref<128x8x8xi32, #tpu.memory_space<vmem>>) target_semaphore(%arg13 : memref<!tpu.dma_semaphore, #tpu.memory_space<semaphore_mem>>)
      %dma_wait3A_461 = arith.constant 512 : i32
      %dma_wait3A_462 = arith.constant 0 : i32
      %dma_wait3A_463 = tpu.memref_slice %arg4[%select_n3A, %dma_wait3A_461, %select_n3A_46, %dma_wait3A_462, %mul3A_0] : memref<4x1024x8x8x128xf32, #tpu.memory_space<hbm>> -> memref<1x128x1x8x8xf32, #tpu.memory_space<hbm>>
      %dma_wait3A_464 = tpu.memref_squeeze %dma_wait3A_463 : memref<1x128x1x8x8xf32, #tpu.memory_space<hbm>> -> memref<128x8x8xf32, #tpu.memory_space<hbm>>
      %dma_wait3A_465 = arith.constant 512 : i32
      %dma_wait3A_466 = arith.constant 0 : i32
      %dma_wait3A_467 = tpu.memref_slice %arg4[%select_n3A, %dma_wait3A_465, %select_n3A_46, %dma_wait3A_466, %mul3A_0] : memref<4x1024x8x8x128xf32, #tpu.memory_space<hbm>> -> memref<1x128x1x8x8xf32, #tpu.memory_space<hbm>>
      %dma_wait3A_468 = tpu.memref_squeeze %dma_wait3A_467 : memref<1x128x1x8x8xf32, #tpu.memory_space<hbm>> -> memref<128x8x8xf32, #tpu.memory_space<hbm>>
      tpu.wait_dma2 semaphore(%arg14 : memref<!tpu.dma_semaphore, #tpu.memory_space<semaphore_mem>>) src(%arg9 : memref<128x8x8xf32, #tpu.memory_space<vmem>>) dst(%dma_wait3A_468 : memref<128x8x8xf32, #tpu.memory_space<hbm>>)
      %parallel_loop3A_469 = arith.constant 0 : i32
      %parallel_loop3A_470 = arith.constant 512 : i32
      %parallel_loop3A_471 = arith.constant 1 : i32
      scf.for %parallel_loop3A_523 = %parallel_loop3A_469 to %parallel_loop3A_470 step %parallel_loop3A_471  : i32 {
        %parallel_loop3A_524 = arith.constant 2 : i32
        %parallel_loop3A_525 = arith.muli %parallel_loop3A_524, %parallel_loop3A_523 : i32
        %parallel_loop3A_526 = vector.broadcast %parallel_loop3A_525 : i32 to vector<16xi32>
        %parallel_loop3A_527 = arith.addi %shift_right_arithmetic3A_4, %parallel_loop3A_526 : vector<16xi32>
        %parallel_loop3A_528 = arith.constant 3 : i32
        %parallel_loop3A_529 = vector.broadcast %parallel_loop3A_528 : i32 to vector<16xi32>
        %parallel_loop3A_530 = arith.shrsi %parallel_loop3A_527, %parallel_loop3A_529 : vector<16xi32>
        %parallel_loop3A_531 = arith.constant 7 : i32
        %parallel_loop3A_532 = vector.broadcast %parallel_loop3A_531 : i32 to vector<16xi32>
        %parallel_loop3A_533 = arith.andi %parallel_loop3A_527, %parallel_loop3A_532 : vector<16xi32>
        %parallel_loop3A_534 = tpu.vector_load_idx %arg7[%parallel_loop3A_530, %parallel_loop3A_533, %and3A_2] : memref<128x8x8xi32, #tpu.memory_space<vmem>>[vector<16xi32>, vector<16xi32>, vector<16xi32>], vector<16xi32>,
        %parallel_loop3A_535 = arith.constant 3 : i32
        %parallel_loop3A_536 = vector.broadcast %parallel_loop3A_535 : i32 to vector<16xi32>
        %parallel_loop3A_537 = arith.shrsi %parallel_loop3A_534, %parallel_loop3A_536 : vector<16xi32>
        %parallel_loop3A_538 = arith.constant 7 : i32
        %parallel_loop3A_539 = vector.broadcast %parallel_loop3A_538 : i32 to vector<16xi32>
        %parallel_loop3A_540 = arith.andi %parallel_loop3A_534, %parallel_loop3A_539 : vector<16xi32>
        %parallel_loop3A_541 = tpu.vector_load_idx %arg6[%parallel_loop3A_537, %parallel_loop3A_540, %and3A_2] : memref<1024x8x8xf32, #tpu.memory_space<vmem>>[vector<16xi32>, vector<16xi32>, vector<16xi32>], vector<16xf32>,
        tpu.vector_store_idx %arg9[%parallel_loop3A_530, %parallel_loop3A_533, %and3A_2], %parallel_loop3A_541 : memref<128x8x8xf32, #tpu.memory_space<vmem>>[vector<16xi32>, vector<16xi32>, vector<16xi32>], vector<16xf32>,
      } {sc.loop_unroll_factor = 4 : i64, sc.parallel_access}
      %dma_start3A_472 = arith.constant 768 : i32
      %dma_start3A_473 = arith.constant 0 : i32
      %dma_start3A_474 = tpu.memref_slice %arg4[%select_n3A, %dma_start3A_472, %select_n3A_46, %dma_start3A_473, %mul3A_0] : memref<4x1024x8x8x128xf32, #tpu.memory_space<hbm>> -> memref<1x128x1x8x8xf32, #tpu.memory_space<hbm>>
      %dma_start3A_475 = tpu.memref_squeeze %dma_start3A_474 : memref<1x128x1x8x8xf32, #tpu.memory_space<hbm>> -> memref<128x8x8xf32, #tpu.memory_space<hbm>>
      %dma_start3A_476 = arith.constant 768 : i32
      %dma_start3A_477 = arith.constant 0 : i32
      %dma_start3A_478 = tpu.memref_slice %arg4[%select_n3A, %dma_start3A_476, %select_n3A_46, %dma_start3A_477, %mul3A_0] : memref<4x1024x8x8x128xf32, #tpu.memory_space<hbm>> -> memref<1x128x1x8x8xf32, #tpu.memory_space<hbm>>
      %dma_start3A_479 = tpu.memref_squeeze %dma_start3A_478 : memref<1x128x1x8x8xf32, #tpu.memory_space<hbm>> -> memref<128x8x8xf32, #tpu.memory_space<hbm>>
      tpu.enqueue_dma source(%arg9 : memref<128x8x8xf32, #tpu.memory_space<vmem>>) target(%dma_start3A_479 : memref<128x8x8xf32, #tpu.memory_space<hbm>>) target_semaphore(%arg14 : memref<!tpu.dma_semaphore, #tpu.memory_space<semaphore_mem>>)
      %dma_wait3A_480 = arith.constant 896 : i32
      %dma_wait3A_481 = arith.constant 0 : i32
      %dma_wait3A_482 = tpu.memref_slice %arg3[%select_n3A, %dma_wait3A_480, %select_n3A_46, %dma_wait3A_481, %mul3A_0] : memref<4x1024x8x8x128xi32, #tpu.memory_space<hbm>> -> memref<1x128x1x8x8xi32, #tpu.memory_space<hbm>>
      %dma_wait3A_483 = tpu.memref_squeeze %dma_wait3A_482 : memref<1x128x1x8x8xi32, #tpu.memory_space<hbm>> -> memref<128x8x8xi32, #tpu.memory_space<hbm>>
      %dma_wait3A_484 = arith.constant 896 : i32
      %dma_wait3A_485 = arith.constant 0 : i32
      %dma_wait3A_486 = tpu.memref_slice %arg3[%select_n3A, %dma_wait3A_484, %select_n3A_46, %dma_wait3A_485, %mul3A_0] : memref<4x1024x8x8x128xi32, #tpu.memory_space<hbm>> -> memref<1x128x1x8x8xi32, #tpu.memory_space<hbm>>
      %dma_wait3A_487 = tpu.memref_squeeze %dma_wait3A_486 : memref<1x128x1x8x8xi32, #tpu.memory_space<hbm>> -> memref<128x8x8xi32, #tpu.memory_space<hbm>>
      tpu.wait_dma2 semaphore(%arg13 : memref<!tpu.dma_semaphore, #tpu.memory_space<semaphore_mem>>) src(%dma_wait3A_487 : memref<128x8x8xi32, #tpu.memory_space<hbm>>) dst(%arg8 : memref<128x8x8xi32, #tpu.memory_space<vmem>>)
      %dma_wait3A_488 = arith.constant 640 : i32
      %dma_wait3A_489 = arith.constant 0 : i32
      %dma_wait3A_490 = tpu.memref_slice %arg4[%select_n3A, %dma_wait3A_488, %select_n3A_46, %dma_wait3A_489, %mul3A_0] : memref<4x1024x8x8x128xf32, #tpu.memory_space<hbm>> -> memref<1x128x1x8x8xf32, #tpu.memory_space<hbm>>
      %dma_wait3A_491 = tpu.memref_squeeze %dma_wait3A_490 : memref<1x128x1x8x8xf32, #tpu.memory_space<hbm>> -> memref<128x8x8xf32, #tpu.memory_space<hbm>>
      %dma_wait3A_492 = arith.constant 640 : i32
      %dma_wait3A_493 = arith.constant 0 : i32
      %dma_wait3A_494 = tpu.memref_slice %arg4[%select_n3A, %dma_wait3A_492, %select_n3A_46, %dma_wait3A_493, %mul3A_0] : memref<4x1024x8x8x128xf32, #tpu.memory_space<hbm>> -> memref<1x128x1x8x8xf32, #tpu.memory_space<hbm>>
      %dma_wait3A_495 = tpu.memref_squeeze %dma_wait3A_494 : memref<1x128x1x8x8xf32, #tpu.memory_space<hbm>> -> memref<128x8x8xf32, #tpu.memory_space<hbm>>
      tpu.wait_dma2 semaphore(%arg15 : memref<!tpu.dma_semaphore, #tpu.memory_space<semaphore_mem>>) src(%arg10 : memref<128x8x8xf32, #tpu.memory_space<vmem>>) dst(%dma_wait3A_495 : memref<128x8x8xf32, #tpu.memory_space<hbm>>)
      %parallel_loop3A_496 = arith.constant 0 : i32
      %parallel_loop3A_497 = arith.constant 512 : i32
      %parallel_loop3A_498 = arith.constant 1 : i32
      scf.for %parallel_loop3A_523 = %parallel_loop3A_496 to %parallel_loop3A_497 step %parallel_loop3A_498  : i32 {
        %parallel_loop3A_524 = arith.constant 2 : i32
        %parallel_loop3A_525 = arith.muli %parallel_loop3A_524, %parallel_loop3A_523 : i32
        %parallel_loop3A_526 = vector.broadcast %parallel_loop3A_525 : i32 to vector<16xi32>
        %parallel_loop3A_527 = arith.addi %shift_right_arithmetic3A_4, %parallel_loop3A_526 : vector<16xi32>
        %parallel_loop3A_528 = arith.constant 3 : i32
        %parallel_loop3A_529 = vector.broadcast %parallel_loop3A_528 : i32 to vector<16xi32>
        %parallel_loop3A_530 = arith.shrsi %parallel_loop3A_527, %parallel_loop3A_529 : vector<16xi32>
        %parallel_loop3A_531 = arith.constant 7 : i32
        %parallel_loop3A_532 = vector.broadcast %parallel_loop3A_531 : i32 to vector<16xi32>
        %parallel_loop3A_533 = arith.andi %parallel_loop3A_527, %parallel_loop3A_532 : vector<16xi32>
        %parallel_loop3A_534 = tpu.vector_load_idx %arg8[%parallel_loop3A_530, %parallel_loop3A_533, %and3A_2] : memref<128x8x8xi32, #tpu.memory_space<vmem>>[vector<16xi32>, vector<16xi32>, vector<16xi32>], vector<16xi32>,
        %parallel_loop3A_535 = arith.constant 3 : i32
        %parallel_loop3A_536 = vector.broadcast %parallel_loop3A_535 : i32 to vector<16xi32>
        %parallel_loop3A_537 = arith.shrsi %parallel_loop3A_534, %parallel_loop3A_536 : vector<16xi32>
        %parallel_loop3A_538 = arith.constant 7 : i32
        %parallel_loop3A_539 = vector.broadcast %parallel_loop3A_538 : i32 to vector<16xi32>
        %parallel_loop3A_540 = arith.andi %parallel_loop3A_534, %parallel_loop3A_539 : vector<16xi32>
        %parallel_loop3A_541 = tpu.vector_load_idx %arg6[%parallel_loop3A_537, %parallel_loop3A_540, %and3A_2] : memref<1024x8x8xf32, #tpu.memory_space<vmem>>[vector<16xi32>, vector<16xi32>, vector<16xi32>], vector<16xf32>,
        tpu.vector_store_idx %arg10[%parallel_loop3A_530, %parallel_loop3A_533, %and3A_2], %parallel_loop3A_541 : memref<128x8x8xf32, #tpu.memory_space<vmem>>[vector<16xi32>, vector<16xi32>, vector<16xi32>], vector<16xf32>,
      } {sc.loop_unroll_factor = 4 : i64, sc.parallel_access}
      %dma_start3A_499 = arith.constant 896 : i32
      %dma_start3A_500 = arith.constant 0 : i32
      %dma_start3A_501 = tpu.memref_slice %arg4[%select_n3A, %dma_start3A_499, %select_n3A_46, %dma_start3A_500, %mul3A_0] : memref<4x1024x8x8x128xf32, #tpu.memory_space<hbm>> -> memref<1x128x1x8x8xf32, #tpu.memory_space<hbm>>
      %dma_start3A_502 = tpu.memref_squeeze %dma_start3A_501 : memref<1x128x1x8x8xf32, #tpu.memory_space<hbm>> -> memref<128x8x8xf32, #tpu.memory_space<hbm>>
      %dma_start3A_503 = arith.constant 896 : i32
      %dma_start3A_504 = arith.constant 0 : i32
      %dma_start3A_505 = tpu.memref_slice %arg4[%select_n3A, %dma_start3A_503, %select_n3A_46, %dma_start3A_504, %mul3A_0] : memref<4x1024x8x8x128xf32, #tpu.memory_space<hbm>> -> memref<1x128x1x8x8xf32, #tpu.memory_space<hbm>>
      %dma_start3A_506 = tpu.memref_squeeze %dma_start3A_505 : memref<1x128x1x8x8xf32, #tpu.memory_space<hbm>> -> memref<128x8x8xf32, #tpu.memory_space<hbm>>
      tpu.enqueue_dma source(%arg10 : memref<128x8x8xf32, #tpu.memory_space<vmem>>) target(%dma_start3A_506 : memref<128x8x8xf32, #tpu.memory_space<hbm>>) target_semaphore(%arg15 : memref<!tpu.dma_semaphore, #tpu.memory_space<semaphore_mem>>)
      %dma_wait3A_507 = arith.constant 768 : i32
      %dma_wait3A_508 = arith.constant 0 : i32
      %dma_wait3A_509 = tpu.memref_slice %arg4[%select_n3A, %dma_wait3A_507, %select_n3A_46, %dma_wait3A_508, %mul3A_0] : memref<4x1024x8x8x128xf32, #tpu.memory_space<hbm>> -> memref<1x128x1x8x8xf32, #tpu.memory_space<hbm>>
      %dma_wait3A_510 = tpu.memref_squeeze %dma_wait3A_509 : memref<1x128x1x8x8xf32, #tpu.memory_space<hbm>> -> memref<128x8x8xf32, #tpu.memory_space<hbm>>
      %dma_wait3A_511 = arith.constant 768 : i32
      %dma_wait3A_512 = arith.constant 0 : i32
      %dma_wait3A_513 = tpu.memref_slice %arg4[%select_n3A, %dma_wait3A_511, %select_n3A_46, %dma_wait3A_512, %mul3A_0] : memref<4x1024x8x8x128xf32, #tpu.memory_space<hbm>> -> memref<1x128x1x8x8xf32, #tpu.memory_space<hbm>>
      %dma_wait3A_514 = tpu.memref_squeeze %dma_wait3A_513 : memref<1x128x1x8x8xf32, #tpu.memory_space<hbm>> -> memref<128x8x8xf32, #tpu.memory_space<hbm>>
      tpu.wait_dma2 semaphore(%arg14 : memref<!tpu.dma_semaphore, #tpu.memory_space<semaphore_mem>>) src(%arg9 : memref<128x8x8xf32, #tpu.memory_space<vmem>>) dst(%dma_wait3A_514 : memref<128x8x8xf32, #tpu.memory_space<hbm>>)
      %dma_wait3A_515 = arith.constant 896 : i32
      %dma_wait3A_516 = arith.constant 0 : i32
      %dma_wait3A_517 = tpu.memref_slice %arg4[%select_n3A, %dma_wait3A_515, %select_n3A_46, %dma_wait3A_516, %mul3A_0] : memref<4x1024x8x8x128xf32, #tpu.memory_space<hbm>> -> memref<1x128x1x8x8xf32, #tpu.memory_space<hbm>>
      %dma_wait3A_518 = tpu.memref_squeeze %dma_wait3A_517 : memref<1x128x1x8x8xf32, #tpu.memory_space<hbm>> -> memref<128x8x8xf32, #tpu.memory_space<hbm>>
      %dma_wait3A_519 = arith.constant 896 : i32
      %dma_wait3A_520 = arith.constant 0 : i32
      %dma_wait3A_521 = tpu.memref_slice %arg4[%select_n3A, %dma_wait3A_519, %select_n3A_46, %dma_wait3A_520, %mul3A_0] : memref<4x1024x8x8x128xf32, #tpu.memory_space<hbm>> -> memref<1x128x1x8x8xf32, #tpu.memory_space<hbm>>
      %dma_wait3A_522 = tpu.memref_squeeze %dma_wait3A_521 : memref<1x128x1x8x8xf32, #tpu.memory_space<hbm>> -> memref<128x8x8xf32, #tpu.memory_space<hbm>>
      tpu.wait_dma2 semaphore(%arg15 : memref<!tpu.dma_semaphore, #tpu.memory_space<semaphore_mem>>) src(%arg10 : memref<128x8x8xf32, #tpu.memory_space<vmem>>) dst(%dma_wait3A_522 : memref<128x8x8xf32, #tpu.memory_space<hbm>>)
    }
    %scan3A_8 = arith.constant 16 : i32
    return
  }
}

</mosaic_0001>

<sc_bundles>
// kernel: _index_pool.3.cloned.1.call-start
scs
__scs_entry_jumppad:
0x0: {  	(pc) =	sbr.rel $0x88, $3  }
0x1: {  	(tag) =	ssettag $0x0;
	lr =	simm.s32 $0x1  }
0x2: {  	[smem:$0x3F9F] =	sst lr;
	_ =	strace $0xD0000000  }
0x3: {  	_ = 	snop  }
0x4: {  	_ = 	snop  }
0x5: {  	_ = 	snop  }
0x6: {  	_ = 	snop  }
0x7: {  	_ = 	snop  }
__scs_overlays_trampoline_lowered:
0x8: {  	[smem:$0x3FAE] =	sst s0  }
0x9: {  	[smem:$0x3FAF] =	sst s1  }
0xa: {  	[smem:$0x3FB0] =	sst s2  }
0xb: {  	[smem:$0x3FB1] =	sst s3  }
0xc: {  	[smem:$0x3FB2] =	sst s4  }
0xd: {  	[smem:$0x3FB3] =	sst s5  }
0xe: {  	[smem:$0x3FB4] =	sst s6  }
0xf: {  	[smem:$0x3FB5] =	sst s7  }
0x10: {  	[smem:$0x3FB6] =	sst s8  }
0x11: {  	[smem:$0x3FB7] =	sst s9;
	s0 =	simm.s32 @!p0 $0x0  }
0x12: {  	s1 =	sld [smem:$0x3F9D];
	s0 =	simm.s32 @p0 $0x1  }
0x13: {  	[smem:$0x3FB8] =	sst s0;
	s0 =	simm.s32 @!p1 $0x0  }
0x14: {  	s2 =	sld [smem:$0x3F9C];
	s0 =	simm.s32 @p1 $0x1  }
0x15: {  	[smem:$0x3FB9] =	sst s0;
	s0 =	simm.s32 @!p2 $0x0  }
0x16: {  	s3 =	sld [smem:$0x3FDB];
	s0 =	simm.s32 @p2 $0x1  }
0x17: {  	s4 =	simm.s32 $0x1BF5;
	[smem:$0x3FBB] =	sst s0  }
0x18: {  	s0 =	sld [smem:$0x3F9E];
	_ =	swait.ge [sflag:s4], $0x0  }
0x19: {  	s7 =	sld [smem:$0x3F9F]  }
0x1a: {  	s8 =	sadd.s32 $0xFFFFE003, lr  }
0x1b: {  	s9 =	sadd.s32 $0xFFFFFEF7, lr;
	s5 =	simm.s32 $0xFFFFFFFF;
	p2 =	slt.u32 s8, $0xFFFFF086  }
0x1c: {  	p1 =	slt.u32 s9, $0xF7A;
	s5 =	simm.s32 @!p2 $0x0  }
0x1d: {  	s5 =	simm.s32 @p1 $0x1;
	p0 =	seq.s32 s7, s2  }
0x1e: {  	s7 =	smul.u32 @!p0 $0xF7A, s2;
	p2 =	seq.s32 @!p0 s5, $0x0  }
0x1f: {  	s9 =	smul.u32 $0xF7A, s1;
	s8 =	simm.s32 @!p0 $0x1BF5;
	p2 =	por !p2, p0  }
0x20: {  	[sflag:s8] =	ssyncset.s32 @!p0 $0xFFFFF086;
	s6 =	sadd.s32 @!p0 s3, s7;
	s7 =	simm.s32 @!p0 $0x108  }
0x21: {  	s3 =	sadd.s32 s3, s9;
	s6 =	sadd.s32 @!p0 $0x88, s6;
	s7 =	simm.s32 @p2 $0x1082  }
0x22: {  	[simem:s7], [sflag:s8] =	dma.local @!p0 [hbm:s6], $0xF7A  }
0x23: {  	s9 =	sor.u32 $0xD0000000, s2;
	s6 =	simm.s32 $0x108;
	_ =	swait.ge @!p0 [sflag:s8], $0x0  }
0x24: {  	s3 =	sadd.s32 $0x88, s3;
	s6 =	simm.s32 @!p1 $0x1082;
	[sflag:s4] =	ssyncset.s32 $0xFFFFF086  }
0x25: {  	[simem:s6], [sflag:s4] =	dma.local [hbm:s3], $0xF7A  }
0x26: {  	[smem:$0x3F9F] =	sst s1;
	(tag) =	ssettag s2;
	_ =	strace s9  }
0x27: {  	s1 =	sld [smem:$0x3FAF]  }
0x28: {  	s2 =	sld [smem:$0x3FB0]  }
0x29: {  	s4 =	sld [smem:$0x3FB2]  }
0x2a: {  	p0 =	seq.s32 s5, $0x0;
	s5 =	sld [smem:$0x3FB3]  }
0x2b: {  	s6 =	sld [smem:$0x3FB4]  }
0x2c: {  	s7 =	sld [smem:$0x3FB5]  }
0x2d: {  	s3 =	simm.s32 $0x108;
	s8 =	sld [smem:$0x3FB6]  }
0x2e: {  	s3 =	simm.s32 @!p0 $0x1082;
	s9 =	sld [smem:$0x3FB7]  }
0x2f: {  	lr =	sadd.s32 s0, s3;
	s0 =	sld [smem:$0x3FAE]  }
0x30: {  	s3 =	sld [smem:$0x3FB1]  }
0x31: {  	[smem:$0x3FBA] =	sst s10  }
0x32: {  	s10 =	sld [smem:$0x3FB8];
	_ =	sdelay $0x3  }
0x33: {  	p0 =	seq.s32 s10, $0x1;
	s10 =	sld [smem:$0x3FBA];
	_ =	sdelay $0x3  }
0x34: {  	[smem:$0x3FBA] =	sst s10  }
0x35: {  	s10 =	sld [smem:$0x3FB9];
	_ =	sdelay $0x3  }
0x36: {  	p1 =	seq.s32 s10, $0x1;
	s10 =	sld [smem:$0x3FBA];
	_ =	sdelay $0x3  }
0x37: {  	[smem:$0x3FBA] =	sst s10  }
0x38: {  	s10 =	sld [smem:$0x3FBB]  }
0x39: {  	_ = 	snop;
	(pc) =	sbr.ind lr, $3  }
0x3a: {  	_ = 	snop  }
0x3b: {  	_ = 	snop  }
0x3c: {  	p2 =	seq.s32 s10, $0x1;
	s10 =	sld [smem:$0x3FBA]  }
0x3d: {  	_ =	shalt  }
0x3e: {  	_ =	shalt  }
0x3f: {  	_ =	shalt  }
0x40: {  	_ =	shalt  }
0x41: {  	_ =	shalt  }
0x42: {  	_ =	shalt  }
0x43: {  	_ =	shalt  }
0x44: {  	_ =	shalt  }
0x45: {  	_ =	shalt  }
0x46: {  	_ =	shalt  }
0x47: {  	_ =	shalt  }
0x48: {  	_ =	shalt  }
0x49: {  	_ =	shalt  }
0x4a: {  	_ =	shalt  }
0x4b: {  	_ =	shalt  }
0x4c: {  	_ =	shalt  }
0x4d: {  	_ =	shalt  }
0x4e: {  	_ =	shalt  }
0x4f: {  	_ =	shalt  }
0x50: {  	_ =	shalt  }
0x51: {  	_ =	shalt  }
0x52: {  	_ =	shalt  }
0x53: {  	_ =	shalt  }
0x54: {  	_ =	shalt  }
0x55: {  	_ =	shalt  }
0x56: {  	_ =	shalt  }
0x57: {  	_ =	shalt  }
0x58: {  	_ =	shalt  }
0x59: {  	_ =	shalt  }
0x5a: {  	_ =	shalt  }
0x5b: {  	_ =	shalt  }
0x5c: {  	_ =	shalt  }
0x5d: {  	_ =	shalt  }
0x5e: {  	_ =	shalt  }
0x5f: {  	_ =	shalt  }
0x60: {  	_ =	shalt  }
0x61: {  	_ =	shalt  }
0x62: {  	_ =	shalt  }
0x63: {  	_ =	shalt  }
0x64: {  	_ =	shalt  }
0x65: {  	_ =	shalt  }
0x66: {  	_ =	shalt  }
0x67: {  	_ =	shalt  }
0x68: {  	_ =	shalt  }
0x69: {  	_ =	shalt  }
0x6a: {  	_ =	shalt  }
0x6b: {  	_ =	shalt  }
0x6c: {  	_ =	shalt  }
0x6d: {  	_ =	shalt  }
0x6e: {  	_ =	shalt  }
0x6f: {  	_ =	shalt  }
0x70: {  	_ =	shalt  }
0x71: {  	_ =	shalt  }
0x72: {  	_ =	shalt  }
0x73: {  	_ =	shalt  }
0x74: {  	_ =	shalt  }
0x75: {  	_ =	shalt  }
0x76: {  	_ =	shalt  }
0x77: {  	_ =	shalt  }
0x78: {  	_ =	shalt  }
0x79: {  	_ =	shalt  }
0x7a: {  	_ =	shalt  }
0x7b: {  	_ =	shalt  }
0x7c: {  	_ =	shalt  }
0x7d: {  	_ =	shalt  }
0x7e: {  	_ =	shalt  }
0x7f: {  	_ =	shalt  }
0x80: {  	_ =	shalt  }
0x81: {  	_ =	shalt  }
0x82: {  	_ =	shalt  }
0x83: {  	_ =	shalt  }
0x84: {  	_ =	shalt  }
0x85: {  	_ =	shalt  }
0x86: {  	_ =	shalt  }
0x87: {  	_ =	shalt  }
.Lfunc_end0:
.L_simem_size_0:
called_computation_lowered:
.L_overlay_start_0:
0x88: {  	s2 =	sld [smem:$0x3FD9]  }
0x89: {  	s3 =	sld [smem:$0x3FFE];
	_ =	sdelay $0x1  }
0x8a: {  	s1 =	srdreg.scid  }
0x8b: {  	s0 =	sand.u32 $0x1, s1  }
0x8c: {  	s18 =	sshll.u32 s0, $0xA;
	s2 =	sadd.s32 s3, s2  }
0x8d: {  	s2 =	sadd.s32 s2, s18  }
0x8e: {  	[smem:$0x3FC6] =	sst s2  }
0x8f: {  	_ = 	snop  }
0x90: {  	s2 =	sld [smem:$0x3FC9]  }
0x91: {  	s19 =	sld [smem:$0x3FC8]  }
0x92: {  	s4 =	sld [smem:$0x3FD0];
	(tm) =	ssettm $0x1  }
0x93: {  	s5 =	sld [smem:$0x3FFB];
	_ =	sdelay $0x3  }
0x94: {  	_ =	strace s5  }
0x95: {  	s5 =	sld [smem:$0x3FFC];
	_ =	sdelay $0x3  }
0x96: {  	_ =	strace s5  }
0x97: {  	s5 =	sld [smem:$0x3FFD];
	_ =	sdelay $0x3  }
0x98: {  	_ =	strace s5  }
0x99: {  	_ =	strace $0x8FFFFFFF  }
0x9a: {  	s20 =	sld [smem:$0x3FDB];
	_ =	sdelay $0x1  }
0x9b: {  	s6 =	simm.s32 $_scs_section_size  }
0x9c: {  	s7 =	simm.s32 $_size__tile_overlayer_lowered;
	s8 =	simm.s32 $_tile_overlayer_lowered  }
0x9d: {  	s23 =	simm.s32 $0x1BFF;
	s22 =	sshll.u32 s8, $0x1;
	s5 =	sadd.s32 s6, s20  }
0x9e: {  	s9 =	simm.s32 $0x0;
	s21 =	sshll.u32 s7, $0x1;
	s7 =	sadd.s32 s22, s5  }
0x9f: {  	[timem:s9], [sflag:s23] =	dma.local [hbm:s7], s21  }
0xa0: {  	_ =	swait.ge [sflag:s23], s21  }
0xa1: {  	s6 =	ssub.s32 $0x0, s21;
	[sflag:s23] =	ssyncset.done $0x0  }
0xa2: {  	[sflag:s23] =	ssyncadd.s32 s6;
	_ =	sdelay $0x1  }
0xa3: {  	s24 =	simm.s32 $0x1B8B  }
0xa4: {  	_ =	swait.ge [sflag:s24], $0x1  }
0xa5: {  	[sflag:s24] =	ssyncset.done $0x0  }
0xa6: {  	s25 =	simm.s32 $0x1B8E;
	[sflag:s24] =	ssyncadd.s32 $0xFFFFFFFF  }
0xa7: {  	s26 =	simm.s32 $execute0_lowered;
	[smem:$0x3FD2] =	sst s25  }
0xa8: {  	s6 =	sshll.u32 s26, $0x1;
	_ =	strace $0x80000046;
	[dreg:$0x1] =	wrdreg $0xFFFFFFFF  }
0xa9: {  	s28 =	simm.s32 $_size_execute0_lowered;
	s5 =	sadd.s32 s5, s6;
	[dreg:$0x0] =	wrdreg $0x0  }
0xaa: {  	s6 =	sshll.u32 s28, $0x1;
	[dreg:$0x2] =	wrdreg s5  }
0xab: {  	[dreg:$0x3] =	wrdreg s6  }
0xac: {  	[dreg:$0x4] =	wrdreg $0xC0  }
0xad: {  	_ =	task [dreg:s9], $0x5FFFF  }
0xae: {  	[dreg:$0x1] =	wrdreg $0xFFFFFFFF  }
0xaf: {  	[dreg:$0x0] =	wrdreg $0x60  }
0xb0: {  	[dreg:$0x2] =	wrdreg s2  }
0xb1: {  	[dreg:$0x3] =	wrdreg s19  }
0xb2: {  	[dreg:$0x4] =	wrdreg s4  }
0xb3: {  	[dreg:$0x5] =	wrdreg $0x0  }
0xb4: {  	[dreg:$0x6] =	wrdreg $0x9  }
0xb5: {  	_ =	task.clear_ibuf [dreg:s9], $0x7FFFF;
	_ =	strace $0x90000046  }
0xb6: {  	s29 =	simm.s32 $0x9;
	_ =	strace $0x80000048  }
0xb7: {  	_ =	swait.ge [sflag:s29], $0x1  }
0xb8: {  	[sflag:s29] =	ssyncadd.s32 $0xFFFFFFFF  }
0xb9: {  	_ =	strace $0x90000048  }
0xba: {  	_ =	sfence  }
0xbb: {  	s30 =	sld [smem:$0x0];
	_ =	sdelay $0x2  }
0xbc: {  	s31 =	sshll.u32 s1, $0xD;
	s1 =	sshrl.u32 s1, $0x2  }
0xbd: {  	s3 =	sand.u32 $0x4000, s31;
	s1 =	sadd.s32 s1, s30  }
0xbe: {  	s0 =	sor.u32 s3, s0;
	s1 =	sshll.u32 s1, $0x11  }
0xbf: {  	s0 =	sor.u32 s1, s0  }
0xc0: {  	s0 =	sadd.s32 $0x8F2B, s0  }
0xc1: {  	[sflag:s0] =	ssyncadd.remote.s32 $0x1  }
0xc2: {  	_ =	sfence.sel $0xFFFF  }
0xc3: {  	[dreg:$0x0] =	wrdreg $0xFFFFFFFF;
	(pc) =	sbr.abs _section_cstart, $3  }
0xc4: {  	[dreg:$0x1] =	wrdreg $0xFFFFFFFF  }
0xc5: {  	_ =	task.clear_ibuf [dreg:s9], $0x2FFFF;
	_ =	strace $0x9FFFFFFF  }
0xc6: {  	(tm) =	ssettm $0x7FFFFFFF  }
0xc7: {  	_ =	shalt  }
tec
execute0_lowered:
.L_overlay_start_1:
0x0: {  	(tag) =	ssettag $0x1  }
0x1: {  	s1 =	rddreg [dreg:$0x0]  }
0x2: {  	s2 =	rddreg [dreg:$0x1]  }
0x3: {  	s3 =	rddreg [dreg:$0x2]  }
0x4: {  	s0 =	rddreg [dreg:$0x3];
	s4 =	srdreg.scid;
	s9 =	simm.s32 $0x0  }
0x5: {  	s13 =	stileid.u32;
	s10 =	simm.s32 $0x1;
	s11 =	simm.s32 $0x8  }
0x6: {  	s12 =	simm.s32 $0x80;
	s15 =	simm.s32 $0x400;
	s16 =	simm.s32 $0x4000  }
0x7: {  	s18 =	simm.s32 $0xC000;
	s19 =	simm.s32 $0x10000;
	s20 =	simm.s32 $0x2  }
0x8: {  	s21 =	simm.s32 $0x14000;
	s22 =	simm.s32 $0x18000;
	s23 =	simm.s32 $0x3  }
0x9: {  	s24 =	simm.s32 $0x16000;
	s25 =	simm.s32 $0x1A000;
	s26 =	simm.s32 $0x4  }
0xa: {  	s28 =	simm.s32 $0x5;
	s4 =	sand.u32 $0x1, s4;
	[smem:$0x7FF] =	sst s9  }
0xb: {  	s29 =	sshll.u32 s13, $0xE;
	s7 =	sshll.u32 s13, $0x11;
	s5 =	ssub.s32 $0x2, s4  }
0xc: {  	s8 =	sshll.u32 s13, $0x3;
	s31 =	sshll.u32 s13, $0x6;
	s6 =	sshrl.u32 s5, $0x1  }
0xd: {  	v0 =	vlaneseq.u32;
	_ =	strace $0x80000047;
	s8 =	sadd.s32 s8, s0;
	s5 =	ssub.s32 s5, s6  }
0xe: {  	v1 =	vand.u32 $0x7, v0;
	s6 =	sshll.u32 s4, $0x4;
	s4 =	sadd.s32 s29, s0;
	s30 =	smax.u32 s5, $0x1  }
0xf: {  	v2 =	vor.u32 $0x10, v0;
	v3 =	vor.u32 $0x20, v0;
	v4 =	vor.u32 $0x30, v0;
	s13 =	sor.u32 $0x1C01, s31;
	s14 =	sshrl.u32 s4, $0x3;
	[dreg:$0x6] =	wrdreg s30  }
.LBB2_1:
0x10: {  	[dreg:$0x5] =	wrdreg s9;
	s29 =	simm.s32 $0x0  }
.LBB2_2:
0x11: {  	s0 =	sadd.s32 s6, s29;
	s4 =	sand.u32 $0x7, s29  }
0x12: {  	p0 =	seq.s32 s0, $0x0;
	p1 =	sne.s32 s4, $0x0  }
0x13: {  	p0 =	por !p0, !p1  }
0x14: {  	s4 =	simm.s32 $0x1;
	p0 =	por !p0, !p0  }
0x15: {  	s0 =	sshrl.u32 s0, $0x3;
	s4 =	simm.s32 @!p0 $0x0  }
0x16: {  	s9 =	sshll.u32 s29, $0xA;
	s0 =	ssub.s32 s0, s4  }
0x17: {  	s4 =	sand.u32 $0x1C00, s9;
	s0 =	sshll.u32 s0, $0x17  }
0x18: {  	s9 =	sor.u32 s4, s0  }
0x19: {  	s17 =	stileid.u32;
	s5 =	sshrl.u32 s9, $0x3  }
0x1a: {  	s30 =	sor.u32 s17, s5  }
0x1b: {  	s17 =	simm.s32 $0x14000;
	s5 =	simm.s32 $0x100;
	s31 =	sadd.s32 s2, s30  }
0x1c: {  	[tilespmem:s17], [sflag:$0x2] =	stream.strided.gather [hbm4b:s31+s11], $0x40, s12, s11, $0x38;
	[tilespmem:$0x1C000] =	vst v63  }
.LBB2_3:
0x1d: {  	p0 =	sne.s32 s5, $0x7F00  }
.Ltmp0:
0x1e: {  	_ = 	snop;
	(pc) =	sbr.rel @p0 .LBB2_3-.Ltmp0, $4  }
0x1f: {  	_ = 	snop  }
0x20: {  	s17 =	sshra.s32 s5, $0x2;
	s5 =	sadd.s32 $0x100, s5  }
0x21: {  	s31 =	sadd.s32 $0x400, s31;
	s17 =	sadd.s32 $0x14000, s17  }
0x22: {  	[tilespmem:s17], [sflag:$0x2] =	stream.strided.gather [hbm4b:s31+s11], $0x40, s12, s11, $0x38;
	[tilespmem:$0x1C000] =	vst v63  }
0x23: {  	s5 =	sor.u32 s7, s9  }
0x24: {  	s5 =	sshrl.u32 s5, $0x3  }
0x25: {  	s5 =	sadd.s32 s1, s5  }
0x26: {  	[spmem:s14@s12], [sflag:s13] =	dma.strided [hbm:s5@s15], $0x800, s11, $0x10   }
0x27: {  	_ =	swait.ge [sflag:s10], $0x800  }
0x28: {  	[sflag:s10] =	ssyncset.done $0x0  }
0x29: {  	[sflag:s10] =	ssyncadd.s32 $0xFFFFF800  }
0x2a: {  	s4 =	sor.u32 s4, s7;
	[bflag:$0x0] =	sbarrier.arrive $0xFFFF  }
0x2b: {  	[tilespmem:s16], [sflag:$0x1] =	stream.strided.gather [spmem:s8], $0x4000, s12, s11, $0x38;
	[tilespmem:$0x1C000] =	vst v63  }
0x2c: {  	s0 =	sor.u32 s0, s4;
	_ =	swait.ge [sflag:s10], $0x4000  }
0x2d: {  	s0 =	sshrl.u32 s0, $0x3;
	[sflag:s10] =	ssyncset.done $0x0  }
0x2e: {  	s0 =	sadd.s32 s0, s1;
	[sflag:s10] =	ssyncadd.s32 $0xFFFFC000  }
0x2f: {  	s5 =	sadd.s32 $0x40000, s0;
	[bflag:$0x0] =	sbarrier.arrive $0xFFFF  }
0x30: {  	[spmem:s14@s12], [sflag:s13] =	dma.strided [hbm:s5@s15], $0x800, s11, $0x10   }
0x31: {  	_ =	swait.ge [sflag:s10], $0x800  }
0x32: {  	[sflag:s10] =	ssyncset.done $0x0  }
0x33: {  	[sflag:s10] =	ssyncadd.s32 $0xFFFFF800  }
0x34: {  	s9 =	simm.s32 $0x8000;
	[bflag:$0x0] =	sbarrier.arrive $0xFFFF  }
0x35: {  	[tilespmem:s9], [sflag:$0x1] =	stream.strided.gather [spmem:s8], $0x4000, s12, s11, $0x38;
	[tilespmem:$0x1C000] =	vst v63  }
0x36: {  	_ =	swait.ge [sflag:s10], $0x4000  }
0x37: {  	[sflag:s10] =	ssyncset.done $0x0  }
0x38: {  	[sflag:s10] =	ssyncadd.s32 $0xFFFFC000  }
0x39: {  	s17 =	sadd.s32 $0x80000, s0;
	[bflag:$0x0] =	sbarrier.arrive $0xFFFF  }
0x3a: {  	[spmem:s14@s12], [sflag:s13] =	dma.strided [hbm:s17@s15], $0x800, s11, $0x10   }
0x3b: {  	_ =	swait.ge [sflag:s10], $0x800  }
0x3c: {  	[sflag:s10] =	ssyncset.done $0x0  }
0x3d: {  	[sflag:s10] =	ssyncadd.s32 $0xFFFFF800  }
0x3e: {  	[bflag:$0x0] =	sbarrier.arrive $0xFFFF  }
0x3f: {  	[tilespmem:s18], [sflag:$0x1] =	stream.strided.gather [spmem:s8], $0x4000, s12, s11, $0x38;
	[tilespmem:$0x1C000] =	vst v63  }
0x40: {  	_ =	swait.ge [sflag:s10], $0x4000  }
0x41: {  	[sflag:s10] =	ssyncset.done $0x0  }
0x42: {  	[sflag:s10] =	ssyncadd.s32 $0xFFFFC000  }
0x43: {  	s0 =	sadd.s32 $0xC0000, s0;
	[bflag:$0x0] =	sbarrier.arrive $0xFFFF  }
0x44: {  	[spmem:s14@s12], [sflag:s13] =	dma.strided [hbm:s0@s15], $0x800, s11, $0x10   }
0x45: {  	_ =	swait.ge [sflag:s10], $0x800  }
0x46: {  	[sflag:s10] =	ssyncset.done $0x0  }
0x47: {  	[sflag:s10] =	ssyncadd.s32 $0xFFFFF800  }
0x48: {  	[bflag:$0x0] =	sbarrier.arrive $0xFFFF  }
0x49: {  	[tilespmem:s19], [sflag:$0x1] =	stream.strided.gather [spmem:s8], $0x4000, s12, s11, $0x38;
	[tilespmem:$0x1C000] =	vst v63  }
0x4a: {  	_ =	swait.ge [sflag:s10], $0x4000  }
0x4b: {  	[sflag:s10] =	ssyncset.done $0x0  }
0x4c: {  	[sflag:s10] =	ssyncadd.s32 $0xFFFFC000  }
0x4d: {  	[bflag:$0x0] =	sbarrier.arrive $0xFFFF  }
0x4e: {  	s31 =	sor.u32 $0x20000, s30;
	_ =	swait.ge [sflag:s20], $0x2000  }
0x4f: {  	s4 =	sadd.s32 s2, s31;
	[sflag:s20] =	ssyncset.done $0x0  }
0x50: {  	s5 =	simm.s32 $0x0;
	s0 =	simm.s32 $0x0;
	[sflag:s20] =	ssyncadd.s32 $0xFFFFE000  }
.LBB2_5:
0x51: {  	p0 =	sne.s32 s5, $0x7F00  }
.Ltmp1:
0x52: {  	_ = 	snop;
	(pc) =	sbr.rel @p0 .LBB2_5-.Ltmp1, $4  }
0x53: {  	s9 =	sshra.s32 s5, $0x2  }
0x54: {  	s9 =	sadd.s32 $0x16000, s9  }
0x55: {  	[tilespmem:s9], [sflag:$0x3] =	stream.strided.gather [hbm4b:s4+s11], $0x40, s12, s11, $0x38;
	[tilespmem:$0x1C000] =	vst v63  }
0x56: {  	s5 =	sadd.s32 $0x100, s5;
	s4 =	sadd.s32 $0x400, s4  }
0x57: {  	v5 =	vmov s0  }
0x58: {  	v5 =	vshrl.u32 v5, $0x3  }
0x59: {  	v5 =	vshll.u32 v5, $0x6  }
0x5a: {  	v5 =	vbroadcast v5, $0x0;
	_ =	sdelay $0x1  }
0x5b: {  	v14 =	vor.u32 v4, v5  }
0x5c: {  	s5 =	simm.s32 $0x8;
	v15 =	vor.u32 v0, v5  }
0x5d: {  	v7 =	vmov s5;
	v16 =	vor.u32 v2, v5  }
0x5e: {  	v6 =	vor.u32 v3, v5;
	v5 =	vshrl.u32 v7, $0x3  }
0x5f: {  	v5 =	vshll.u32 v5, $0x6  }
0x60: {  	v5 =	vbroadcast v5, $0x0;
	v10 =	vld.idx.msk [tilespmem:v14+s21+$0x0], $0xffff  }
0x61: {  	v11 =	vld.idx.msk [tilespmem:v15+s21+$0x0], $0xffff  }
0x62: {  	v9 =	vor.u32 v4, v5;
	v12 =	vld.idx.msk [tilespmem:v16+s21+$0x0], $0xffff  }
0x63: {  	s9 =	simm.s32 $0x10;
	v7 =	vor.u32 v0, v5  }
0x64: {  	v17 =	vmov s9;
	v8 =	vor.u32 v2, v5;
	v13 =	vld.idx.msk [tilespmem:v6+s21+$0x0], $0xffff  }
0x65: {  	v17 =	vshrl.u32 v17, $0x3;
	v5 =	vor.u32 v3, v5;
	v10 =	vshll.u32 v10, $0x3  }
0x66: {  	v17 =	vshll.u32 v17, $0x6;
	v11 =	vshll.u32 v11, $0x3;
	v10 =	vor.u32 v1, v10  }
0x67: {  	v17 =	vbroadcast v17, $0x0;
	v18 =	vld.idx.msk [tilespmem:v9+s21+$0x0], $0xffff;
	v19 =	vor.u32 v1, v11;
	v11 =	vshll.u32 v12, $0x3  }
0x68: {  	v20 =	vld.idx.msk [tilespmem:v7+s21+$0x0], $0xffff;
	v21 =	vor.u32 v1, v11  }
0x69: {  	v22 =	vld.idx.msk [tilespmem:v8+s21+$0x0], $0xffff;
	v11 =	vshll.u32 v13, $0x3;
	v13 =	vor.u32 v2, v17  }
0x6a: {  	v24 =	vld.idx.msk [tilespmem:v5+s21+$0x0], $0xffff;
	v23 =	vor.u32 v1, v11  }
0x6b: {  	v11 =	vor.u32 v4, v17;
	v27 =	vld.idx.msk [tilespmem:v10+s16+$0x0], $0xffff  }
0x6c: {  	s17 =	simm.s32 $0x18;
	v12 =	vor.u32 v0, v17;
	v28 =	vld.idx.msk [tilespmem:v19+s16+$0x0], $0xffff  }
0x6d: {  	v10 =	vor.u32 v3, v17;
	v17 =	vshll.u32 v18, $0x3;
	v18 =	vmov s17;
	v29 =	vld.idx.msk [tilespmem:v21+s16+$0x0], $0xffff  }
0x6e: {  	v19 =	vshll.u32 v20, $0x3;
	v20 =	vor.u32 v1, v17;
	v18 =	vshrl.u32 v18, $0x3;
	v21 =	vld.idx.msk [tilespmem:v13+s21+$0x0], $0xffff  }
0x6f: {  	v30 =	vor.u32 v1, v19;
	v19 =	vshll.u32 v22, $0x3;
	v17 =	vld.idx.msk [tilespmem:v23+s16+$0x0], $0xffff;
	v18 =	vshll.u32 v18, $0x6  }
0x70: {  	v22 =	vshll.u32 v24, $0x3;
	v25 =	vld.idx.msk [tilespmem:v11+s21+$0x0], $0xffff;
	v26 =	vor.u32 v1, v19;
	v18 =	vbroadcast v18, $0x0  }
0x71: {  	v23 =	vld.idx.msk [tilespmem:v12+s21+$0x0], $0xffff;
	v22 =	vor.u32 v1, v22  }
0x72: {  	v24 =	vld.idx.msk [tilespmem:v10+s21+$0x0], $0xffff;
	[tilespmem:v15+s22+$0x0] =	vst.idx.msk $0xffff, v28;
	v15 =	vor.u32 v4, v18  }
0x73: {  	[tilespmem:v14+s22+$0x0] =	vst.idx.msk $0xffff, v27;
	v27 =	vor.u32 v0, v18;
	v14 =	vor.u32 v2, v18;
	v19 =	vld.idx.msk [tilespmem:v20+s16+$0x0], $0xffff  }
0x74: {  	s0 =	simm.s32 $0xC;
	s9 =	simm.s32 $0x20;
	v20 =	vor.u32 v3, v18;
	v18 =	vld.idx.msk [tilespmem:v30+s16+$0x0], $0xffff;
	[tilespmem:v16+s22+$0x0] =	vst.idx.msk $0xffff, v29;
	v16 =	vmov v27  }
.LBB2_7:
0x75: {  	v28 =	vmov s9;
	s0 =	sadd.s32 $0x4, s0;
	v25 =	vshll.u32 v25, $0x3;
	v29 =	vld.idx.msk [tilespmem:v26+s16+$0x0], $0xffff;
	[tilespmem:v6+s22+$0x0] =	vst.idx.msk $0xffff, v17;
	v6 =	vmovc v5;
	v5 =	vmovc v10;
	v10 =	vmov v20  }
0x76: {  	v23 =	vshll.u32 v23, $0x3;
	v20 =	vshrl.u32 v28, $0x3;
	p0 =	slt.u32 s0, $0x1FC;
	v28 =	vor.u32 v1, v25;
	v17 =	vld.idx.msk [tilespmem:v22+s16+$0x0], $0xffff  }
0x77: {  	v30 =	vor.u32 v1, v23;
	v21 =	vshll.u32 v21, $0x3;
	v20 =	vshll.u32 v20, $0x6;
	v25 =	vld.idx.msk [tilespmem:v15+s21+$0x0], $0xffff  }
.Ltmp2:
0x78: {  	v26 =	vor.u32 v1, v21;
	v22 =	vshll.u32 v24, $0x3;
	v20 =	vbroadcast v20, $0x0;
	v23 =	vld.idx.msk [tilespmem:v27+s21+$0x0], $0xffff;
	(pc) =	sbr.rel @p0 .LBB2_7-.Ltmp2, $4  }
0x79: {  	v22 =	vor.u32 v1, v22;
	v21 =	vld.idx.msk [tilespmem:v14+s21+$0x0], $0xffff;
	[tilespmem:v9+s22+$0x0] =	vst.idx.msk $0xffff, v19;
	v9 =	vmov v11;
	v11 =	vmov v15  }
0x7a: {  	v27 =	vor.u32 v0, v20;
	v31 =	vor.u32 v2, v20;
	v15 =	vor.u32 v4, v20;
	v24 =	vld.idx.msk [tilespmem:v10+s21+$0x0], $0xffff  }
0x7b: {  	v20 =	vor.u32 v3, v20;
	v19 =	vld.idx.msk [tilespmem:v28+s16+$0x0], $0xffff;
	[tilespmem:v7+s22+$0x0] =	vst.idx.msk $0xffff, v18;
	v7 =	vmov v12;
	v12 =	vmov v16  }
0x7c: {  	s9 =	sadd.s32 $0x8, s9;
	v16 =	vmovc v27;
	v18 =	vld.idx.msk [tilespmem:v30+s16+$0x0], $0xffff;
	[tilespmem:v8+s22+$0x0] =	vst.idx.msk $0xffff, v29;
	v8 =	vmov v13;
	v13 =	vmov v14;
	v14 =	vmov v31  }
0x7d: {  	_ =	sdelay $0x3  }
0x7e: {  	v28 =	vld.idx.msk [tilespmem:v15+s21+$0x0], $0xffff  }
0x7f: {  	v25 =	vshll.u32 v25, $0x3;
	v27 =	vld.idx.msk [tilespmem:v27+s21+$0x0], $0xffff  }
0x80: {  	v23 =	vshll.u32 v23, $0x3;
	v29 =	vld.idx.msk [tilespmem:v14+s21+$0x0], $0xffff;
	v25 =	vor.u32 v1, v25  }
0x81: {  	v30 =	vld.idx.msk [tilespmem:v20+s21+$0x0], $0xffff;
	v23 =	vor.u32 v1, v23;
	v21 =	vshll.u32 v21, $0x3  }
0x82: {  	v21 =	vor.u32 v1, v21;
	v24 =	vshll.u32 v24, $0x3  }
0x83: {  	v26 =	vld.idx.msk [tilespmem:v26+s16+$0x0], $0xffff;
	v24 =	vor.u32 v1, v24;
	v28 =	vshll.u32 v28, $0x3  }
0x84: {  	v22 =	vld.idx.msk [tilespmem:v22+s16+$0x0], $0xffff;
	v27 =	vshll.u32 v27, $0x3;
	v28 =	vor.u32 v1, v28  }
0x85: {  	[tilespmem:v6+s22+$0x0] =	vst.idx.msk $0xffff, v17;
	v57 =	vshll.u32 v29, $0x3;
	v6 =	vld.idx.msk [tilespmem:v25+s16+$0x0], $0xffff;
	v56 =	vor.u32 v1, v27  }
0x86: {  	[tilespmem:v9+s22+$0x0] =	vst.idx.msk $0xffff, v19;
	v60 =	vshll.u32 v30, $0x3;
	v58 =	vld.idx.msk [tilespmem:v23+s16+$0x0], $0xffff;
	v59 =	vor.u32 v1, v57  }
0x87: {  	[tilespmem:v7+s22+$0x0] =	vst.idx.msk $0xffff, v18;
	v61 =	vor.u32 v1, v60;
	v7 =	vld.idx.msk [tilespmem:v21+s16+$0x0], $0xffff  }
0x88: {  	[tilespmem:v8+s22+$0x0] =	vst.idx.msk $0xffff, v26;
	v62 =	vld.idx.msk [tilespmem:v24+s16+$0x0], $0xffff  }
0x89: {  	[tilespmem:v5+s22+$0x0] =	vst.idx.msk $0xffff, v22;
	v5 =	vld.idx.msk [tilespmem:v28+s16+$0x0], $0xffff  }
0x8a: {  	[tilespmem:v11+s22+$0x0] =	vst.idx.msk $0xffff, v6;
	v6 =	vld.idx.msk [tilespmem:v56+s16+$0x0], $0xffff  }
0x8b: {  	[tilespmem:v12+s22+$0x0] =	vst.idx.msk $0xffff, v58;
	v63 =	vld.idx.msk [tilespmem:v59+s16+$0x0], $0xffff  }
0x8c: {  	[tilespmem:v13+s22+$0x0] =	vst.idx.msk $0xffff, v7;
	v7 =	vld.idx.msk [tilespmem:v61+s16+$0x0], $0xffff  }
0x8d: {  	[tilespmem:v10+s22+$0x0] =	vst.idx.msk $0xffff, v62  }
0x8e: {  	[tilespmem:v15+s22+$0x0] =	vst.idx.msk $0xffff, v5  }
0x8f: {  	[tilespmem:v16+s22+$0x0] =	vst.idx.msk $0xffff, v6  }
0x90: {  	[tilespmem:v14+s22+$0x0] =	vst.idx.msk $0xffff, v63  }
0x91: {  	s0 =	sadd.s32 s3, s30;
	s4 =	simm.s32 $0x18000;
	[tilespmem:v20+s22+$0x0] =	vst.idx.msk $0xffff, v7  }
0x92: {  	[hbm4b:s0+s11] =	stream.strided.scatter [tilespmem:s4], [sflag:$0x4], $0x40, s12, s11, $0x38;
	[tilespmem:$0x1C000] =	vst v63  }
0x93: {  	s4 =	simm.s32 $0x100  }
.LBB2_9:
0x94: {  	p0 =	sne.s32 s4, $0x7F00  }
.Ltmp3:
0x95: {  	_ = 	snop;
	(pc) =	sbr.rel @p0 .LBB2_9-.Ltmp3, $4  }
0x96: {  	_ = 	snop  }
0x97: {  	s5 =	sshra.s32 s4, $0x2;
	s4 =	sadd.s32 $0x100, s4  }
0x98: {  	s0 =	sadd.s32 $0x400, s0;
	s5 =	sadd.s32 $0x18000, s5  }
0x99: {  	[hbm4b:s0+s11] =	stream.strided.scatter [tilespmem:s5], [sflag:$0x4], $0x40, s12, s11, $0x38;
	[tilespmem:$0x1C000] =	vst v63  }
0x9a: {  	_ =	swait.ge [sflag:s23], $0x2000  }
0x9b: {  	s0 =	sor.u32 $0x40000, s30;
	s4 =	simm.s32 $0x0;
	[sflag:s23] =	ssyncset.done $0x0  }
0x9c: {  	s9 =	simm.s32 $0x0;
	s5 =	sadd.s32 s2, s0;
	[sflag:s23] =	ssyncadd.s32 $0xFFFFE000  }
.LBB2_11:
0x9d: {  	p0 =	sne.s32 s9, $0x7F00  }
.Ltmp4:
0x9e: {  	_ = 	snop;
	(pc) =	sbr.rel @p0 .LBB2_11-.Ltmp4, $4  }
0x9f: {  	s17 =	sshra.s32 s9, $0x2  }
0xa0: {  	s17 =	sadd.s32 $0x14000, s17  }
0xa1: {  	[tilespmem:s17], [sflag:$0x2] =	stream.strided.gather [hbm4b:s5+s11], $0x40, s12, s11, $0x38;
	[tilespmem:$0x1C000] =	vst v63  }
0xa2: {  	s9 =	sadd.s32 $0x100, s9;
	s5 =	sadd.s32 $0x400, s5  }
0xa3: {  	v5 =	vmov s4  }
0xa4: {  	v5 =	vshrl.u32 v5, $0x3  }
0xa5: {  	v5 =	vshll.u32 v5, $0x6  }
0xa6: {  	v5 =	vbroadcast v5, $0x0;
	_ =	sdelay $0x1  }
0xa7: {  	v14 =	vor.u32 v4, v5  }
0xa8: {  	s5 =	simm.s32 $0x8;
	v15 =	vor.u32 v0, v5  }
0xa9: {  	v7 =	vmov s5;
	v16 =	vor.u32 v2, v5  }
0xaa: {  	v6 =	vor.u32 v3, v5;
	v5 =	vshrl.u32 v7, $0x3  }
0xab: {  	v5 =	vshll.u32 v5, $0x6  }
0xac: {  	v5 =	vbroadcast v5, $0x0;
	v10 =	vld.idx.msk [tilespmem:v14+s24+$0x0], $0xffff  }
0xad: {  	v11 =	vld.idx.msk [tilespmem:v15+s24+$0x0], $0xffff  }
0xae: {  	v9 =	vor.u32 v4, v5;
	v12 =	vld.idx.msk [tilespmem:v16+s24+$0x0], $0xffff  }
0xaf: {  	s9 =	simm.s32 $0x10;
	v7 =	vor.u32 v0, v5  }
0xb0: {  	v17 =	vmov s9;
	v8 =	vor.u32 v2, v5;
	v13 =	vld.idx.msk [tilespmem:v6+s24+$0x0], $0xffff  }
0xb1: {  	v17 =	vshrl.u32 v17, $0x3;
	v5 =	vor.u32 v3, v5;
	v10 =	vshll.u32 v10, $0x3  }
0xb2: {  	v17 =	vshll.u32 v17, $0x6;
	v11 =	vshll.u32 v11, $0x3;
	v10 =	vor.u32 v1, v10  }
0xb3: {  	v17 =	vbroadcast v17, $0x0;
	v18 =	vld.idx.msk [tilespmem:v9+s24+$0x0], $0xffff;
	v19 =	vor.u32 v1, v11;
	v11 =	vshll.u32 v12, $0x3  }
0xb4: {  	v20 =	vld.idx.msk [tilespmem:v7+s24+$0x0], $0xffff;
	v21 =	vor.u32 v1, v11  }
0xb5: {  	v22 =	vld.idx.msk [tilespmem:v8+s24+$0x0], $0xffff;
	v11 =	vshll.u32 v13, $0x3;
	v13 =	vor.u32 v2, v17  }
0xb6: {  	v24 =	vld.idx.msk [tilespmem:v5+s24+$0x0], $0xffff;
	v23 =	vor.u32 v1, v11  }
0xb7: {  	v11 =	vor.u32 v4, v17;
	v27 =	vld.idx.msk [tilespmem:v10+s16+$0x0], $0xffff  }
0xb8: {  	s17 =	simm.s32 $0x18;
	v12 =	vor.u32 v0, v17;
	v28 =	vld.idx.msk [tilespmem:v19+s16+$0x0], $0xffff  }
0xb9: {  	v10 =	vor.u32 v3, v17;
	v17 =	vshll.u32 v18, $0x3;
	v18 =	vmov s17;
	v29 =	vld.idx.msk [tilespmem:v21+s16+$0x0], $0xffff  }
0xba: {  	v19 =	vshll.u32 v20, $0x3;
	v20 =	vor.u32 v1, v17;
	v18 =	vshrl.u32 v18, $0x3;
	v21 =	vld.idx.msk [tilespmem:v13+s24+$0x0], $0xffff  }
0xbb: {  	v30 =	vor.u32 v1, v19;
	v19 =	vshll.u32 v22, $0x3;
	v17 =	vld.idx.msk [tilespmem:v23+s16+$0x0], $0xffff;
	v18 =	vshll.u32 v18, $0x6  }
0xbc: {  	v22 =	vshll.u32 v24, $0x3;
	v25 =	vld.idx.msk [tilespmem:v11+s24+$0x0], $0xffff;
	v26 =	vor.u32 v1, v19;
	v18 =	vbroadcast v18, $0x0  }
0xbd: {  	v23 =	vld.idx.msk [tilespmem:v12+s24+$0x0], $0xffff;
	v22 =	vor.u32 v1, v22  }
0xbe: {  	v24 =	vld.idx.msk [tilespmem:v10+s24+$0x0], $0xffff;
	[tilespmem:v15+s25+$0x0] =	vst.idx.msk $0xffff, v28;
	v15 =	vor.u32 v4, v18  }
0xbf: {  	[tilespmem:v14+s25+$0x0] =	vst.idx.msk $0xffff, v27;
	v27 =	vor.u32 v0, v18;
	v14 =	vor.u32 v2, v18;
	v19 =	vld.idx.msk [tilespmem:v20+s16+$0x0], $0xffff  }
0xc0: {  	s4 =	simm.s32 $0x20;
	s9 =	simm.s32 $0xC;
	v20 =	vor.u32 v3, v18;
	v18 =	vld.idx.msk [tilespmem:v30+s16+$0x0], $0xffff;
	[tilespmem:v16+s25+$0x0] =	vst.idx.msk $0xffff, v29;
	v16 =	vmov v27  }
.LBB2_13:
0xc1: {  	v28 =	vmov s4;
	s9 =	sadd.s32 $0x4, s9;
	v25 =	vshll.u32 v25, $0x3;
	v29 =	vld.idx.msk [tilespmem:v26+s16+$0x0], $0xffff;
	[tilespmem:v6+s25+$0x0] =	vst.idx.msk $0xffff, v17;
	v6 =	vmovc v5;
	v5 =	vmovc v10;
	v10 =	vmov v20  }
0xc2: {  	v23 =	vshll.u32 v23, $0x3;
	v20 =	vshrl.u32 v28, $0x3;
	p0 =	slt.u32 s9, $0x1FC;
	v28 =	vor.u32 v1, v25;
	v17 =	vld.idx.msk [tilespmem:v22+s16+$0x0], $0xffff  }
0xc3: {  	v30 =	vor.u32 v1, v23;
	v21 =	vshll.u32 v21, $0x3;
	v20 =	vshll.u32 v20, $0x6;
	v25 =	vld.idx.msk [tilespmem:v15+s24+$0x0], $0xffff  }
.Ltmp5:
0xc4: {  	v26 =	vor.u32 v1, v21;
	v22 =	vshll.u32 v24, $0x3;
	v20 =	vbroadcast v20, $0x0;
	v23 =	vld.idx.msk [tilespmem:v27+s24+$0x0], $0xffff;
	(pc) =	sbr.rel @p0 .LBB2_13-.Ltmp5, $4  }
0xc5: {  	v22 =	vor.u32 v1, v22;
	v21 =	vld.idx.msk [tilespmem:v14+s24+$0x0], $0xffff;
	[tilespmem:v9+s25+$0x0] =	vst.idx.msk $0xffff, v19;
	v9 =	vmov v11;
	v11 =	vmov v15  }
0xc6: {  	v27 =	vor.u32 v0, v20;
	v31 =	vor.u32 v2, v20;
	v15 =	vor.u32 v4, v20;
	v24 =	vld.idx.msk [tilespmem:v10+s24+$0x0], $0xffff  }
0xc7: {  	v20 =	vor.u32 v3, v20;
	v19 =	vld.idx.msk [tilespmem:v28+s16+$0x0], $0xffff;
	[tilespmem:v7+s25+$0x0] =	vst.idx.msk $0xffff, v18;
	v7 =	vmov v12;
	v12 =	vmov v16  }
0xc8: {  	s4 =	sadd.s32 $0x8, s4;
	v16 =	vmovc v27;
	v18 =	vld.idx.msk [tilespmem:v30+s16+$0x0], $0xffff;
	[tilespmem:v8+s25+$0x0] =	vst.idx.msk $0xffff, v29;
	v8 =	vmov v13;
	v13 =	vmov v14;
	v14 =	vmov v31  }
0xc9: {  	_ =	sdelay $0x3  }
0xca: {  	v28 =	vld.idx.msk [tilespmem:v15+s24+$0x0], $0xffff  }
0xcb: {  	v25 =	vshll.u32 v25, $0x3;
	v27 =	vld.idx.msk [tilespmem:v27+s24+$0x0], $0xffff  }
0xcc: {  	v23 =	vshll.u32 v23, $0x3;
	v29 =	vld.idx.msk [tilespmem:v14+s24+$0x0], $0xffff;
	v25 =	vor.u32 v1, v25  }
0xcd: {  	v30 =	vld.idx.msk [tilespmem:v20+s24+$0x0], $0xffff;
	v23 =	vor.u32 v1, v23;
	v21 =	vshll.u32 v21, $0x3  }
0xce: {  	v21 =	vor.u32 v1, v21;
	v24 =	vshll.u32 v24, $0x3  }
0xcf: {  	v26 =	vld.idx.msk [tilespmem:v26+s16+$0x0], $0xffff;
	v24 =	vor.u32 v1, v24;
	v28 =	vshll.u32 v28, $0x3  }
0xd0: {  	v22 =	vld.idx.msk [tilespmem:v22+s16+$0x0], $0xffff;
	v27 =	vshll.u32 v27, $0x3;
	v28 =	vor.u32 v1, v28  }
0xd1: {  	[tilespmem:v6+s25+$0x0] =	vst.idx.msk $0xffff, v17;
	v57 =	vshll.u32 v29, $0x3;
	v6 =	vld.idx.msk [tilespmem:v25+s16+$0x0], $0xffff;
	v56 =	vor.u32 v1, v27  }
0xd2: {  	[tilespmem:v9+s25+$0x0] =	vst.idx.msk $0xffff, v19;
	v60 =	vshll.u32 v30, $0x3;
	v58 =	vld.idx.msk [tilespmem:v23+s16+$0x0], $0xffff;
	v59 =	vor.u32 v1, v57  }
0xd3: {  	[tilespmem:v7+s25+$0x0] =	vst.idx.msk $0xffff, v18;
	v61 =	vor.u32 v1, v60;
	v7 =	vld.idx.msk [tilespmem:v21+s16+$0x0], $0xffff  }
0xd4: {  	[tilespmem:v8+s25+$0x0] =	vst.idx.msk $0xffff, v26;
	v62 =	vld.idx.msk [tilespmem:v24+s16+$0x0], $0xffff  }
0xd5: {  	[tilespmem:v5+s25+$0x0] =	vst.idx.msk $0xffff, v22;
	v5 =	vld.idx.msk [tilespmem:v28+s16+$0x0], $0xffff  }
0xd6: {  	[tilespmem:v11+s25+$0x0] =	vst.idx.msk $0xffff, v6;
	v6 =	vld.idx.msk [tilespmem:v56+s16+$0x0], $0xffff  }
0xd7: {  	[tilespmem:v12+s25+$0x0] =	vst.idx.msk $0xffff, v58;
	v63 =	vld.idx.msk [tilespmem:v59+s16+$0x0], $0xffff  }
0xd8: {  	[tilespmem:v13+s25+$0x0] =	vst.idx.msk $0xffff, v7;
	v7 =	vld.idx.msk [tilespmem:v61+s16+$0x0], $0xffff  }
0xd9: {  	[tilespmem:v10+s25+$0x0] =	vst.idx.msk $0xffff, v62  }
0xda: {  	[tilespmem:v15+s25+$0x0] =	vst.idx.msk $0xffff, v5  }
0xdb: {  	[tilespmem:v16+s25+$0x0] =	vst.idx.msk $0xffff, v6  }
0xdc: {  	[tilespmem:v14+s25+$0x0] =	vst.idx.msk $0xffff, v63  }
0xdd: {  	s4 =	sadd.s32 s3, s31;
	s5 =	simm.s32 $0x1A000;
	[tilespmem:v20+s25+$0x0] =	vst.idx.msk $0xffff, v7  }
0xde: {  	[hbm4b:s4+s11] =	stream.strided.scatter [tilespmem:s5], [sflag:$0x5], $0x40, s12, s11, $0x38;
	[tilespmem:$0x1C000] =	vst v63  }
0xdf: {  	s5 =	simm.s32 $0x100  }
.LBB2_15:
0xe0: {  	p0 =	sne.s32 s5, $0x7F00  }
.Ltmp6:
0xe1: {  	_ = 	snop;
	(pc) =	sbr.rel @p0 .LBB2_15-.Ltmp6, $4  }
0xe2: {  	_ = 	snop  }
0xe3: {  	s9 =	sshra.s32 s5, $0x2;
	s5 =	sadd.s32 $0x100, s5  }
0xe4: {  	s4 =	sadd.s32 $0x400, s4;
	s9 =	sadd.s32 $0x1A000, s9  }
0xe5: {  	[hbm4b:s4+s11] =	stream.strided.scatter [tilespmem:s9], [sflag:$0x5], $0x40, s12, s11, $0x38;
	[tilespmem:$0x1C000] =	vst v63  }
0xe6: {  	_ =	swait.ge [sflag:s20], $0x2000  }
0xe7: {  	s31 =	sor.u32 $0x60000, s30;
	[sflag:s20] =	ssyncset.done $0x0  }
0xe8: {  	s5 =	simm.s32 $0x16000;
	s4 =	sadd.s32 s2, s31;
	[sflag:s20] =	ssyncadd.s32 $0xFFFFE000  }
0xe9: {  	[tilespmem:s5], [sflag:$0x3] =	stream.strided.gather [hbm4b:s4+s11], $0x40, s12, s11, $0x38;
	[tilespmem:$0x1C000] =	vst v63  }
0xea: {  	s5 =	simm.s32 $0x100  }
.LBB2_17:
0xeb: {  	p0 =	sne.s32 s5, $0x7F00  }
.Ltmp7:
0xec: {  	_ = 	snop;
	(pc) =	sbr.rel @p0 .LBB2_17-.Ltmp7, $4  }
0xed: {  	_ = 	snop  }
0xee: {  	s9 =	sshra.s32 s5, $0x2;
	s5 =	sadd.s32 $0x100, s5  }
0xef: {  	s4 =	sadd.s32 $0x400, s4;
	s9 =	sadd.s32 $0x16000, s9  }
0xf0: {  	[tilespmem:s9], [sflag:$0x3] =	stream.strided.gather [hbm4b:s4+s11], $0x40, s12, s11, $0x38;
	[tilespmem:$0x1C000] =	vst v63  }
0xf1: {  	s4 =	simm.s32 $0x0  }
0xf2: {  	v5 =	vmov s4  }
0xf3: {  	v5 =	vshrl.u32 v5, $0x3  }
0xf4: {  	v5 =	vshll.u32 v5, $0x6  }
0xf5: {  	v5 =	vbroadcast v5, $0x0;
	_ =	sdelay $0x1  }
0xf6: {  	v14 =	vor.u32 v4, v5  }
0xf7: {  	s5 =	simm.s32 $0x8;
	v15 =	vor.u32 v0, v5  }
0xf8: {  	_ =	swait.ge [sflag:s26], $0x2000;
	v6 =	vmov s5;
	v16 =	vor.u32 v2, v5  }
0xf9: {  	[sflag:s26] =	ssyncset.done $0x0;
	v6 =	vshrl.u32 v6, $0x3  }
0xfa: {  	[sflag:s26] =	ssyncadd.s32 $0xFFFFE000;
	v6 =	vshll.u32 v6, $0x6;
	v5 =	vor.u32 v3, v5  }
0xfb: {  	v6 =	vbroadcast v6, $0x0;
	v10 =	vld.idx.msk [tilespmem:v14+s21+$0x0], $0xffff  }
0xfc: {  	v11 =	vld.idx.msk [tilespmem:v15+s21+$0x0], $0xffff  }
0xfd: {  	v9 =	vor.u32 v4, v6;
	v12 =	vld.idx.msk [tilespmem:v16+s21+$0x0], $0xffff  }
0xfe: {  	s9 =	simm.s32 $0x10;
	v7 =	vor.u32 v0, v6  }
0xff: {  	v17 =	vmov s9;
	v8 =	vor.u32 v2, v6;
	v13 =	vld.idx.msk [tilespmem:v5+s21+$0x0], $0xffff  }
0x100: {  	v17 =	vshrl.u32 v17, $0x3;
	v6 =	vor.u32 v3, v6;
	v10 =	vshll.u32 v10, $0x3  }
0x101: {  	v17 =	vshll.u32 v17, $0x6;
	v11 =	vshll.u32 v11, $0x3;
	v10 =	vor.u32 v1, v10  }
0x102: {  	v17 =	vbroadcast v17, $0x0;
	v18 =	vld.idx.msk [tilespmem:v9+s21+$0x0], $0xffff;
	v19 =	vor.u32 v1, v11;
	v11 =	vshll.u32 v12, $0x3  }
0x103: {  	v20 =	vld.idx.msk [tilespmem:v7+s21+$0x0], $0xffff;
	v21 =	vor.u32 v1, v11  }
0x104: {  	v22 =	vld.idx.msk [tilespmem:v8+s21+$0x0], $0xffff;
	v11 =	vshll.u32 v13, $0x3;
	v13 =	vor.u32 v2, v17  }
0x105: {  	v24 =	vld.idx.msk [tilespmem:v6+s21+$0x0], $0xffff;
	v23 =	vor.u32 v1, v11  }
0x106: {  	v11 =	vor.u32 v4, v17;
	v27 =	vld.idx.msk [tilespmem:v10+s16+$0x0], $0xffff  }
0x107: {  	s17 =	simm.s32 $0x18;
	v12 =	vor.u32 v0, v17;
	v28 =	vld.idx.msk [tilespmem:v19+s16+$0x0], $0xffff  }
0x108: {  	v10 =	vor.u32 v3, v17;
	v17 =	vshll.u32 v18, $0x3;
	v18 =	vmov s17;
	v29 =	vld.idx.msk [tilespmem:v21+s16+$0x0], $0xffff  }
0x109: {  	v19 =	vshll.u32 v20, $0x3;
	v20 =	vor.u32 v1, v17;
	v18 =	vshrl.u32 v18, $0x3;
	v21 =	vld.idx.msk [tilespmem:v13+s21+$0x0], $0xffff  }
0x10a: {  	v30 =	vor.u32 v1, v19;
	v19 =	vshll.u32 v22, $0x3;
	v17 =	vld.idx.msk [tilespmem:v23+s16+$0x0], $0xffff;
	v18 =	vshll.u32 v18, $0x6  }
0x10b: {  	v22 =	vshll.u32 v24, $0x3;
	v25 =	vld.idx.msk [tilespmem:v11+s21+$0x0], $0xffff;
	v26 =	vor.u32 v1, v19;
	v18 =	vbroadcast v18, $0x0  }
0x10c: {  	v23 =	vld.idx.msk [tilespmem:v12+s21+$0x0], $0xffff;
	v22 =	vor.u32 v1, v22  }
0x10d: {  	v24 =	vld.idx.msk [tilespmem:v10+s21+$0x0], $0xffff;
	[tilespmem:v15+s22+$0x0] =	vst.idx.msk $0xffff, v28;
	v15 =	vor.u32 v4, v18  }
0x10e: {  	[tilespmem:v14+s22+$0x0] =	vst.idx.msk $0xffff, v27;
	v27 =	vor.u32 v0, v18;
	v14 =	vor.u32 v2, v18;
	v19 =	vld.idx.msk [tilespmem:v20+s16+$0x0], $0xffff  }
0x10f: {  	s9 =	simm.s32 $0xC;
	s4 =	simm.s32 $0x20;
	v20 =	vor.u32 v3, v18;
	v18 =	vld.idx.msk [tilespmem:v30+s16+$0x0], $0xffff;
	[tilespmem:v16+s22+$0x0] =	vst.idx.msk $0xffff, v29;
	v16 =	vmov v27  }
.LBB2_19:
0x110: {  	v28 =	vmov s4;
	s9 =	sadd.s32 $0x4, s9;
	v25 =	vshll.u32 v25, $0x3;
	v29 =	vld.idx.msk [tilespmem:v26+s16+$0x0], $0xffff;
	[tilespmem:v5+s22+$0x0] =	vst.idx.msk $0xffff, v17;
	v5 =	vmovc v6;
	v6 =	vmovc v10;
	v10 =	vmov v20  }
0x111: {  	v23 =	vshll.u32 v23, $0x3;
	v20 =	vshrl.u32 v28, $0x3;
	p0 =	slt.u32 s9, $0x1FC;
	v28 =	vor.u32 v1, v25;
	v17 =	vld.idx.msk [tilespmem:v22+s16+$0x0], $0xffff  }
0x112: {  	v30 =	vor.u32 v1, v23;
	v21 =	vshll.u32 v21, $0x3;
	v20 =	vshll.u32 v20, $0x6;
	v25 =	vld.idx.msk [tilespmem:v15+s21+$0x0], $0xffff  }
.Ltmp8:
0x113: {  	v26 =	vor.u32 v1, v21;
	v22 =	vshll.u32 v24, $0x3;
	v20 =	vbroadcast v20, $0x0;
	v23 =	vld.idx.msk [tilespmem:v27+s21+$0x0], $0xffff;
	(pc) =	sbr.rel @p0 .LBB2_19-.Ltmp8, $4  }
0x114: {  	v22 =	vor.u32 v1, v22;
	v21 =	vld.idx.msk [tilespmem:v14+s21+$0x0], $0xffff;
	[tilespmem:v9+s22+$0x0] =	vst.idx.msk $0xffff, v19;
	v9 =	vmov v11;
	v11 =	vmov v15  }
0x115: {  	v27 =	vor.u32 v0, v20;
	v31 =	vor.u32 v2, v20;
	v15 =	vor.u32 v4, v20;
	v24 =	vld.idx.msk [tilespmem:v10+s21+$0x0], $0xffff  }
0x116: {  	v20 =	vor.u32 v3, v20;
	v19 =	vld.idx.msk [tilespmem:v28+s16+$0x0], $0xffff;
	[tilespmem:v7+s22+$0x0] =	vst.idx.msk $0xffff, v18;
	v7 =	vmov v12;
	v12 =	vmov v16  }
0x117: {  	s4 =	sadd.s32 $0x8, s4;
	v16 =	vmovc v27;
	v18 =	vld.idx.msk [tilespmem:v30+s16+$0x0], $0xffff;
	[tilespmem:v8+s22+$0x0] =	vst.idx.msk $0xffff, v29;
	v8 =	vmov v13;
	v13 =	vmov v14;
	v14 =	vmov v31  }
0x118: {  	_ =	sdelay $0x3  }
0x119: {  	v28 =	vld.idx.msk [tilespmem:v15+s21+$0x0], $0xffff  }
0x11a: {  	v25 =	vshll.u32 v25, $0x3;
	v27 =	vld.idx.msk [tilespmem:v27+s21+$0x0], $0xffff  }
0x11b: {  	v23 =	vshll.u32 v23, $0x3;
	v29 =	vld.idx.msk [tilespmem:v14+s21+$0x0], $0xffff;
	v25 =	vor.u32 v1, v25  }
0x11c: {  	v30 =	vld.idx.msk [tilespmem:v20+s21+$0x0], $0xffff;
	v23 =	vor.u32 v1, v23;
	v21 =	vshll.u32 v21, $0x3  }
0x11d: {  	v21 =	vor.u32 v1, v21;
	v24 =	vshll.u32 v24, $0x3  }
0x11e: {  	v26 =	vld.idx.msk [tilespmem:v26+s16+$0x0], $0xffff;
	v24 =	vor.u32 v1, v24;
	v28 =	vshll.u32 v28, $0x3  }
0x11f: {  	v22 =	vld.idx.msk [tilespmem:v22+s16+$0x0], $0xffff;
	v27 =	vshll.u32 v27, $0x3;
	v28 =	vor.u32 v1, v28  }
0x120: {  	[tilespmem:v5+s22+$0x0] =	vst.idx.msk $0xffff, v17;
	v57 =	vshll.u32 v29, $0x3;
	v5 =	vld.idx.msk [tilespmem:v25+s16+$0x0], $0xffff;
	v56 =	vor.u32 v1, v27  }
0x121: {  	[tilespmem:v9+s22+$0x0] =	vst.idx.msk $0xffff, v19;
	v60 =	vshll.u32 v30, $0x3;
	v58 =	vld.idx.msk [tilespmem:v23+s16+$0x0], $0xffff;
	v59 =	vor.u32 v1, v57  }
0x122: {  	[tilespmem:v7+s22+$0x0] =	vst.idx.msk $0xffff, v18;
	v61 =	vor.u32 v1, v60;
	v7 =	vld.idx.msk [tilespmem:v21+s16+$0x0], $0xffff  }
0x123: {  	[tilespmem:v8+s22+$0x0] =	vst.idx.msk $0xffff, v26;
	v62 =	vld.idx.msk [tilespmem:v24+s16+$0x0], $0xffff  }
0x124: {  	[tilespmem:v6+s22+$0x0] =	vst.idx.msk $0xffff, v22;
	v6 =	vld.idx.msk [tilespmem:v28+s16+$0x0], $0xffff  }
0x125: {  	[tilespmem:v11+s22+$0x0] =	vst.idx.msk $0xffff, v5;
	v5 =	vld.idx.msk [tilespmem:v56+s16+$0x0], $0xffff  }
0x126: {  	[tilespmem:v12+s22+$0x0] =	vst.idx.msk $0xffff, v58;
	v63 =	vld.idx.msk [tilespmem:v59+s16+$0x0], $0xffff  }
0x127: {  	[tilespmem:v13+s22+$0x0] =	vst.idx.msk $0xffff, v7;
	v7 =	vld.idx.msk [tilespmem:v61+s16+$0x0], $0xffff  }
0x128: {  	[tilespmem:v10+s22+$0x0] =	vst.idx.msk $0xffff, v62  }
0x129: {  	[tilespmem:v15+s22+$0x0] =	vst.idx.msk $0xffff, v6  }
0x12a: {  	[tilespmem:v16+s22+$0x0] =	vst.idx.msk $0xffff, v5  }
0x12b: {  	[tilespmem:v14+s22+$0x0] =	vst.idx.msk $0xffff, v63  }
0x12c: {  	s0 =	sadd.s32 s3, s0;
	s4 =	simm.s32 $0x18000;
	[tilespmem:v20+s22+$0x0] =	vst.idx.msk $0xffff, v7  }
0x12d: {  	[hbm4b:s0+s11] =	stream.strided.scatter [tilespmem:s4], [sflag:$0x4], $0x40, s12, s11, $0x38;
	[tilespmem:$0x1C000] =	vst v63  }
0x12e: {  	s4 =	simm.s32 $0x100  }
.LBB2_21:
0x12f: {  	p0 =	sne.s32 s4, $0x7F00  }
.Ltmp9:
0x130: {  	_ = 	snop;
	(pc) =	sbr.rel @p0 .LBB2_21-.Ltmp9, $4  }
0x131: {  	_ = 	snop  }
0x132: {  	s5 =	sshra.s32 s4, $0x2;
	s4 =	sadd.s32 $0x100, s4  }
0x133: {  	s0 =	sadd.s32 $0x400, s0;
	s5 =	sadd.s32 $0x18000, s5  }
0x134: {  	[hbm4b:s0+s11] =	stream.strided.scatter [tilespmem:s5], [sflag:$0x4], $0x40, s12, s11, $0x38;
	[tilespmem:$0x1C000] =	vst v63  }
0x135: {  	_ =	swait.ge [sflag:s23], $0x2000  }
0x136: {  	s0 =	sor.u32 $0x80000, s30;
	[sflag:s23] =	ssyncset.done $0x0  }
0x137: {  	s5 =	simm.s32 $0x14000;
	s4 =	sadd.s32 s2, s0;
	[sflag:s23] =	ssyncadd.s32 $0xFFFFE000  }
0x138: {  	[tilespmem:s5], [sflag:$0x2] =	stream.strided.gather [hbm4b:s4+s11], $0x40, s12, s11, $0x38;
	[tilespmem:$0x1C000] =	vst v63  }
0x139: {  	s5 =	simm.s32 $0x100  }
.LBB2_23:
0x13a: {  	p0 =	sne.s32 s5, $0x7F00  }
.Ltmp10:
0x13b: {  	_ = 	snop;
	(pc) =	sbr.rel @p0 .LBB2_23-.Ltmp10, $4  }
0x13c: {  	_ = 	snop  }
0x13d: {  	s9 =	sshra.s32 s5, $0x2;
	s5 =	sadd.s32 $0x100, s5  }
0x13e: {  	s4 =	sadd.s32 $0x400, s4;
	s9 =	sadd.s32 $0x14000, s9  }
0x13f: {  	[tilespmem:s9], [sflag:$0x2] =	stream.strided.gather [hbm4b:s4+s11], $0x40, s12, s11, $0x38;
	[tilespmem:$0x1C000] =	vst v63  }
0x140: {  	s4 =	simm.s32 $0x0  }
0x141: {  	v5 =	vmov s4  }
0x142: {  	v5 =	vshrl.u32 v5, $0x3  }
0x143: {  	v5 =	vshll.u32 v5, $0x6  }
0x144: {  	v5 =	vbroadcast v5, $0x0;
	_ =	sdelay $0x1  }
0x145: {  	v14 =	vor.u32 v4, v5  }
0x146: {  	s5 =	simm.s32 $0x8;
	v15 =	vor.u32 v0, v5  }
0x147: {  	_ =	swait.ge [sflag:s28], $0x2000;
	v6 =	vmov s5;
	v16 =	vor.u32 v2, v5  }
0x148: {  	[sflag:s28] =	ssyncset.done $0x0;
	v6 =	vshrl.u32 v6, $0x3  }
0x149: {  	[sflag:s28] =	ssyncadd.s32 $0xFFFFE000;
	v6 =	vshll.u32 v6, $0x6;
	v5 =	vor.u32 v3, v5  }
0x14a: {  	v6 =	vbroadcast v6, $0x0;
	v10 =	vld.idx.msk [tilespmem:v14+s24+$0x0], $0xffff  }
0x14b: {  	v11 =	vld.idx.msk [tilespmem:v15+s24+$0x0], $0xffff  }
0x14c: {  	v9 =	vor.u32 v4, v6;
	v12 =	vld.idx.msk [tilespmem:v16+s24+$0x0], $0xffff  }
0x14d: {  	s9 =	simm.s32 $0x10;
	v7 =	vor.u32 v0, v6  }
0x14e: {  	v17 =	vmov s9;
	v8 =	vor.u32 v2, v6;
	v13 =	vld.idx.msk [tilespmem:v5+s24+$0x0], $0xffff  }
0x14f: {  	v17 =	vshrl.u32 v17, $0x3;
	v6 =	vor.u32 v3, v6;
	v10 =	vshll.u32 v10, $0x3  }
0x150: {  	v17 =	vshll.u32 v17, $0x6;
	v11 =	vshll.u32 v11, $0x3;
	v10 =	vor.u32 v1, v10  }
0x151: {  	v17 =	vbroadcast v17, $0x0;
	v18 =	vld.idx.msk [tilespmem:v9+s24+$0x0], $0xffff;
	v19 =	vor.u32 v1, v11;
	v11 =	vshll.u32 v12, $0x3  }
0x152: {  	v20 =	vld.idx.msk [tilespmem:v7+s24+$0x0], $0xffff;
	v21 =	vor.u32 v1, v11  }
0x153: {  	v22 =	vld.idx.msk [tilespmem:v8+s24+$0x0], $0xffff;
	v11 =	vshll.u32 v13, $0x3;
	v13 =	vor.u32 v2, v17  }
0x154: {  	v24 =	vld.idx.msk [tilespmem:v6+s24+$0x0], $0xffff;
	v23 =	vor.u32 v1, v11  }
0x155: {  	v11 =	vor.u32 v4, v17;
	v27 =	vld.idx.msk [tilespmem:v10+s16+$0x0], $0xffff  }
0x156: {  	s17 =	simm.s32 $0x18;
	v12 =	vor.u32 v0, v17;
	v28 =	vld.idx.msk [tilespmem:v19+s16+$0x0], $0xffff  }
0x157: {  	v10 =	vor.u32 v3, v17;
	v17 =	vshll.u32 v18, $0x3;
	v18 =	vmov s17;
	v29 =	vld.idx.msk [tilespmem:v21+s16+$0x0], $0xffff  }
0x158: {  	v19 =	vshll.u32 v20, $0x3;
	v20 =	vor.u32 v1, v17;
	v18 =	vshrl.u32 v18, $0x3;
	v21 =	vld.idx.msk [tilespmem:v13+s24+$0x0], $0xffff  }
0x159: {  	v30 =	vor.u32 v1, v19;
	v19 =	vshll.u32 v22, $0x3;
	v17 =	vld.idx.msk [tilespmem:v23+s16+$0x0], $0xffff;
	v18 =	vshll.u32 v18, $0x6  }
0x15a: {  	v22 =	vshll.u32 v24, $0x3;
	v25 =	vld.idx.msk [tilespmem:v11+s24+$0x0], $0xffff;
	v26 =	vor.u32 v1, v19;
	v18 =	vbroadcast v18, $0x0  }
0x15b: {  	v23 =	vld.idx.msk [tilespmem:v12+s24+$0x0], $0xffff;
	v22 =	vor.u32 v1, v22  }
0x15c: {  	v24 =	vld.idx.msk [tilespmem:v10+s24+$0x0], $0xffff;
	[tilespmem:v15+s25+$0x0] =	vst.idx.msk $0xffff, v28;
	v15 =	vor.u32 v4, v18  }
0x15d: {  	[tilespmem:v14+s25+$0x0] =	vst.idx.msk $0xffff, v27;
	v27 =	vor.u32 v0, v18;
	v14 =	vor.u32 v2, v18;
	v19 =	vld.idx.msk [tilespmem:v20+s16+$0x0], $0xffff  }
0x15e: {  	s9 =	simm.s32 $0xC;
	s4 =	simm.s32 $0x20;
	v20 =	vor.u32 v3, v18;
	v18 =	vld.idx.msk [tilespmem:v30+s16+$0x0], $0xffff;
	[tilespmem:v16+s25+$0x0] =	vst.idx.msk $0xffff, v29;
	v16 =	vmov v27  }
.LBB2_25:
0x15f: {  	v28 =	vmov s4;
	s9 =	sadd.s32 $0x4, s9;
	v25 =	vshll.u32 v25, $0x3;
	v29 =	vld.idx.msk [tilespmem:v26+s16+$0x0], $0xffff;
	[tilespmem:v5+s25+$0x0] =	vst.idx.msk $0xffff, v17;
	v5 =	vmovc v6;
	v6 =	vmovc v10;
	v10 =	vmov v20  }
0x160: {  	v23 =	vshll.u32 v23, $0x3;
	v20 =	vshrl.u32 v28, $0x3;
	p0 =	slt.u32 s9, $0x1FC;
	v28 =	vor.u32 v1, v25;
	v17 =	vld.idx.msk [tilespmem:v22+s16+$0x0], $0xffff  }
0x161: {  	v30 =	vor.u32 v1, v23;
	v21 =	vshll.u32 v21, $0x3;
	v20 =	vshll.u32 v20, $0x6;
	v25 =	vld.idx.msk [tilespmem:v15+s24+$0x0], $0xffff  }
.Ltmp11:
0x162: {  	v26 =	vor.u32 v1, v21;
	v22 =	vshll.u32 v24, $0x3;
	v20 =	vbroadcast v20, $0x0;
	v23 =	vld.idx.msk [tilespmem:v27+s24+$0x0], $0xffff;
	(pc) =	sbr.rel @p0 .LBB2_25-.Ltmp11, $4  }
0x163: {  	v22 =	vor.u32 v1, v22;
	v21 =	vld.idx.msk [tilespmem:v14+s24+$0x0], $0xffff;
	[tilespmem:v9+s25+$0x0] =	vst.idx.msk $0xffff, v19;
	v9 =	vmov v11;
	v11 =	vmov v15  }
0x164: {  	v27 =	vor.u32 v0, v20;
	v31 =	vor.u32 v2, v20;
	v15 =	vor.u32 v4, v20;
	v24 =	vld.idx.msk [tilespmem:v10+s24+$0x0], $0xffff  }
0x165: {  	v20 =	vor.u32 v3, v20;
	v19 =	vld.idx.msk [tilespmem:v28+s16+$0x0], $0xffff;
	[tilespmem:v7+s25+$0x0] =	vst.idx.msk $0xffff, v18;
	v7 =	vmov v12;
	v12 =	vmov v16  }
0x166: {  	s4 =	sadd.s32 $0x8, s4;
	v16 =	vmovc v27;
	v18 =	vld.idx.msk [tilespmem:v30+s16+$0x0], $0xffff;
	[tilespmem:v8+s25+$0x0] =	vst.idx.msk $0xffff, v29;
	v8 =	vmov v13;
	v13 =	vmov v14;
	v14 =	vmov v31  }
0x167: {  	_ =	sdelay $0x3  }
0x168: {  	v28 =	vld.idx.msk [tilespmem:v15+s24+$0x0], $0xffff  }
0x169: {  	v25 =	vshll.u32 v25, $0x3;
	v27 =	vld.idx.msk [tilespmem:v27+s24+$0x0], $0xffff  }
0x16a: {  	v23 =	vshll.u32 v23, $0x3;
	v29 =	vld.idx.msk [tilespmem:v14+s24+$0x0], $0xffff;
	v25 =	vor.u32 v1, v25  }
0x16b: {  	v30 =	vld.idx.msk [tilespmem:v20+s24+$0x0], $0xffff;
	v23 =	vor.u32 v1, v23;
	v21 =	vshll.u32 v21, $0x3  }
0x16c: {  	v21 =	vor.u32 v1, v21;
	v24 =	vshll.u32 v24, $0x3  }
0x16d: {  	v26 =	vld.idx.msk [tilespmem:v26+s16+$0x0], $0xffff;
	v24 =	vor.u32 v1, v24;
	v28 =	vshll.u32 v28, $0x3  }
0x16e: {  	v22 =	vld.idx.msk [tilespmem:v22+s16+$0x0], $0xffff;
	v27 =	vshll.u32 v27, $0x3;
	v28 =	vor.u32 v1, v28  }
0x16f: {  	[tilespmem:v5+s25+$0x0] =	vst.idx.msk $0xffff, v17;
	v57 =	vshll.u32 v29, $0x3;
	v5 =	vld.idx.msk [tilespmem:v25+s16+$0x0], $0xffff;
	v56 =	vor.u32 v1, v27  }
0x170: {  	[tilespmem:v9+s25+$0x0] =	vst.idx.msk $0xffff, v19;
	v60 =	vshll.u32 v30, $0x3;
	v58 =	vld.idx.msk [tilespmem:v23+s16+$0x0], $0xffff;
	v59 =	vor.u32 v1, v57  }
0x171: {  	[tilespmem:v7+s25+$0x0] =	vst.idx.msk $0xffff, v18;
	v61 =	vor.u32 v1, v60;
	v7 =	vld.idx.msk [tilespmem:v21+s16+$0x0], $0xffff  }
0x172: {  	[tilespmem:v8+s25+$0x0] =	vst.idx.msk $0xffff, v26;
	v62 =	vld.idx.msk [tilespmem:v24+s16+$0x0], $0xffff  }
0x173: {  	[tilespmem:v6+s25+$0x0] =	vst.idx.msk $0xffff, v22;
	v6 =	vld.idx.msk [tilespmem:v28+s16+$0x0], $0xffff  }
0x174: {  	[tilespmem:v11+s25+$0x0] =	vst.idx.msk $0xffff, v5;
	v5 =	vld.idx.msk [tilespmem:v56+s16+$0x0], $0xffff  }
0x175: {  	[tilespmem:v12+s25+$0x0] =	vst.idx.msk $0xffff, v58;
	v63 =	vld.idx.msk [tilespmem:v59+s16+$0x0], $0xffff  }
0x176: {  	[tilespmem:v13+s25+$0x0] =	vst.idx.msk $0xffff, v7;
	v7 =	vld.idx.msk [tilespmem:v61+s16+$0x0], $0xffff  }
0x177: {  	[tilespmem:v10+s25+$0x0] =	vst.idx.msk $0xffff, v62  }
0x178: {  	[tilespmem:v15+s25+$0x0] =	vst.idx.msk $0xffff, v6  }
0x179: {  	[tilespmem:v16+s25+$0x0] =	vst.idx.msk $0xffff, v5  }
0x17a: {  	[tilespmem:v14+s25+$0x0] =	vst.idx.msk $0xffff, v63  }
0x17b: {  	s4 =	sadd.s32 s3, s31;
	s5 =	simm.s32 $0x1A000;
	[tilespmem:v20+s25+$0x0] =	vst.idx.msk $0xffff, v7  }
0x17c: {  	[hbm4b:s4+s11] =	stream.strided.scatter [tilespmem:s5], [sflag:$0x5], $0x40, s12, s11, $0x38;
	[tilespmem:$0x1C000] =	vst v63  }
0x17d: {  	s5 =	simm.s32 $0x100  }
.LBB2_27:
0x17e: {  	p0 =	sne.s32 s5, $0x7F00  }
.Ltmp12:
0x17f: {  	_ = 	snop;
	(pc) =	sbr.rel @p0 .LBB2_27-.Ltmp12, $4  }
0x180: {  	_ = 	snop  }
0x181: {  	s9 =	sshra.s32 s5, $0x2;
	s5 =	sadd.s32 $0x100, s5  }
0x182: {  	s4 =	sadd.s32 $0x400, s4;
	s9 =	sadd.s32 $0x1A000, s9  }
0x183: {  	[hbm4b:s4+s11] =	stream.strided.scatter [tilespmem:s9], [sflag:$0x5], $0x40, s12, s11, $0x38;
	[tilespmem:$0x1C000] =	vst v63  }
0x184: {  	_ =	swait.ge [sflag:s20], $0x2000  }
0x185: {  	s31 =	sor.u32 $0xA0000, s30;
	[sflag:s20] =	ssyncset.done $0x0  }
0x186: {  	s5 =	simm.s32 $0x16000;
	s4 =	sadd.s32 s2, s31;
	[sflag:s20] =	ssyncadd.s32 $0xFFFFE000  }
0x187: {  	[tilespmem:s5], [sflag:$0x3] =	stream.strided.gather [hbm4b:s4+s11], $0x40, s12, s11, $0x38;
	[tilespmem:$0x1C000] =	vst v63  }
0x188: {  	s5 =	simm.s32 $0x100  }
.LBB2_29:
0x189: {  	p0 =	sne.s32 s5, $0x7F00  }
.Ltmp13:
0x18a: {  	_ = 	snop;
	(pc) =	sbr.rel @p0 .LBB2_29-.Ltmp13, $4  }
0x18b: {  	_ = 	snop  }
0x18c: {  	s9 =	sshra.s32 s5, $0x2;
	s5 =	sadd.s32 $0x100, s5  }
0x18d: {  	s4 =	sadd.s32 $0x400, s4;
	s9 =	sadd.s32 $0x16000, s9  }
0x18e: {  	[tilespmem:s9], [sflag:$0x3] =	stream.strided.gather [hbm4b:s4+s11], $0x40, s12, s11, $0x38;
	[tilespmem:$0x1C000] =	vst v63  }
0x18f: {  	s4 =	simm.s32 $0x0  }
0x190: {  	v5 =	vmov s4  }
0x191: {  	v5 =	vshrl.u32 v5, $0x3  }
0x192: {  	v5 =	vshll.u32 v5, $0x6  }
0x193: {  	v5 =	vbroadcast v5, $0x0;
	_ =	sdelay $0x1  }
0x194: {  	v14 =	vor.u32 v4, v5  }
0x195: {  	s5 =	simm.s32 $0x8;
	v15 =	vor.u32 v0, v5  }
0x196: {  	_ =	swait.ge [sflag:s26], $0x2000;
	v6 =	vmov s5;
	v16 =	vor.u32 v2, v5  }
0x197: {  	[sflag:s26] =	ssyncset.done $0x0;
	v6 =	vshrl.u32 v6, $0x3  }
0x198: {  	[sflag:s26] =	ssyncadd.s32 $0xFFFFE000;
	v6 =	vshll.u32 v6, $0x6;
	v5 =	vor.u32 v3, v5  }
0x199: {  	v6 =	vbroadcast v6, $0x0;
	v10 =	vld.idx.msk [tilespmem:v14+s21+$0x0], $0xffff  }
0x19a: {  	v11 =	vld.idx.msk [tilespmem:v15+s21+$0x0], $0xffff  }
0x19b: {  	v9 =	vor.u32 v4, v6;
	v12 =	vld.idx.msk [tilespmem:v16+s21+$0x0], $0xffff  }
0x19c: {  	s9 =	simm.s32 $0x10;
	v7 =	vor.u32 v0, v6  }
0x19d: {  	v17 =	vmov s9;
	v8 =	vor.u32 v2, v6;
	v13 =	vld.idx.msk [tilespmem:v5+s21+$0x0], $0xffff  }
0x19e: {  	v17 =	vshrl.u32 v17, $0x3;
	v6 =	vor.u32 v3, v6;
	v10 =	vshll.u32 v10, $0x3  }
0x19f: {  	v17 =	vshll.u32 v17, $0x6;
	v11 =	vshll.u32 v11, $0x3;
	v10 =	vor.u32 v1, v10  }
0x1a0: {  	v17 =	vbroadcast v17, $0x0;
	v18 =	vld.idx.msk [tilespmem:v9+s21+$0x0], $0xffff;
	v19 =	vor.u32 v1, v11;
	v11 =	vshll.u32 v12, $0x3  }
0x1a1: {  	v20 =	vld.idx.msk [tilespmem:v7+s21+$0x0], $0xffff;
	v21 =	vor.u32 v1, v11  }
0x1a2: {  	v22 =	vld.idx.msk [tilespmem:v8+s21+$0x0], $0xffff;
	v11 =	vshll.u32 v13, $0x3;
	v13 =	vor.u32 v2, v17  }
0x1a3: {  	v24 =	vld.idx.msk [tilespmem:v6+s21+$0x0], $0xffff;
	v23 =	vor.u32 v1, v11  }
0x1a4: {  	v11 =	vor.u32 v4, v17;
	v27 =	vld.idx.msk [tilespmem:v10+s16+$0x0], $0xffff  }
0x1a5: {  	s17 =	simm.s32 $0x18;
	v12 =	vor.u32 v0, v17;
	v28 =	vld.idx.msk [tilespmem:v19+s16+$0x0], $0xffff  }
0x1a6: {  	v10 =	vor.u32 v3, v17;
	v17 =	vshll.u32 v18, $0x3;
	v18 =	vmov s17;
	v29 =	vld.idx.msk [tilespmem:v21+s16+$0x0], $0xffff  }
0x1a7: {  	v19 =	vshll.u32 v20, $0x3;
	v20 =	vor.u32 v1, v17;
	v18 =	vshrl.u32 v18, $0x3;
	v21 =	vld.idx.msk [tilespmem:v13+s21+$0x0], $0xffff  }
0x1a8: {  	v30 =	vor.u32 v1, v19;
	v19 =	vshll.u32 v22, $0x3;
	v17 =	vld.idx.msk [tilespmem:v23+s16+$0x0], $0xffff;
	v18 =	vshll.u32 v18, $0x6  }
0x1a9: {  	v22 =	vshll.u32 v24, $0x3;
	v25 =	vld.idx.msk [tilespmem:v11+s21+$0x0], $0xffff;
	v26 =	vor.u32 v1, v19;
	v18 =	vbroadcast v18, $0x0  }
0x1aa: {  	v23 =	vld.idx.msk [tilespmem:v12+s21+$0x0], $0xffff;
	v22 =	vor.u32 v1, v22  }
0x1ab: {  	v24 =	vld.idx.msk [tilespmem:v10+s21+$0x0], $0xffff;
	[tilespmem:v15+s22+$0x0] =	vst.idx.msk $0xffff, v28;
	v15 =	vor.u32 v4, v18  }
0x1ac: {  	[tilespmem:v14+s22+$0x0] =	vst.idx.msk $0xffff, v27;
	v27 =	vor.u32 v0, v18;
	v14 =	vor.u32 v2, v18;
	v19 =	vld.idx.msk [tilespmem:v20+s16+$0x0], $0xffff  }
0x1ad: {  	s9 =	simm.s32 $0xC;
	s4 =	simm.s32 $0x20;
	v20 =	vor.u32 v3, v18;
	v18 =	vld.idx.msk [tilespmem:v30+s16+$0x0], $0xffff;
	[tilespmem:v16+s22+$0x0] =	vst.idx.msk $0xffff, v29;
	v16 =	vmov v27  }
.LBB2_31:
0x1ae: {  	v28 =	vmov s4;
	s9 =	sadd.s32 $0x4, s9;
	v25 =	vshll.u32 v25, $0x3;
	v29 =	vld.idx.msk [tilespmem:v26+s16+$0x0], $0xffff;
	[tilespmem:v5+s22+$0x0] =	vst.idx.msk $0xffff, v17;
	v5 =	vmovc v6;
	v6 =	vmovc v10;
	v10 =	vmov v20  }
0x1af: {  	v23 =	vshll.u32 v23, $0x3;
	v20 =	vshrl.u32 v28, $0x3;
	p0 =	slt.u32 s9, $0x1FC;
	v28 =	vor.u32 v1, v25;
	v17 =	vld.idx.msk [tilespmem:v22+s16+$0x0], $0xffff  }
0x1b0: {  	v30 =	vor.u32 v1, v23;
	v21 =	vshll.u32 v21, $0x3;
	v20 =	vshll.u32 v20, $0x6;
	v25 =	vld.idx.msk [tilespmem:v15+s21+$0x0], $0xffff  }
.Ltmp14:
0x1b1: {  	v26 =	vor.u32 v1, v21;
	v22 =	vshll.u32 v24, $0x3;
	v20 =	vbroadcast v20, $0x0;
	v23 =	vld.idx.msk [tilespmem:v27+s21+$0x0], $0xffff;
	(pc) =	sbr.rel @p0 .LBB2_31-.Ltmp14, $4  }
0x1b2: {  	v22 =	vor.u32 v1, v22;
	v21 =	vld.idx.msk [tilespmem:v14+s21+$0x0], $0xffff;
	[tilespmem:v9+s22+$0x0] =	vst.idx.msk $0xffff, v19;
	v9 =	vmov v11;
	v11 =	vmov v15  }
0x1b3: {  	v27 =	vor.u32 v0, v20;
	v31 =	vor.u32 v2, v20;
	v15 =	vor.u32 v4, v20;
	v24 =	vld.idx.msk [tilespmem:v10+s21+$0x0], $0xffff  }
0x1b4: {  	v20 =	vor.u32 v3, v20;
	v19 =	vld.idx.msk [tilespmem:v28+s16+$0x0], $0xffff;
	[tilespmem:v7+s22+$0x0] =	vst.idx.msk $0xffff, v18;
	v7 =	vmov v12;
	v12 =	vmov v16  }
0x1b5: {  	s4 =	sadd.s32 $0x8, s4;
	v16 =	vmovc v27;
	v18 =	vld.idx.msk [tilespmem:v30+s16+$0x0], $0xffff;
	[tilespmem:v8+s22+$0x0] =	vst.idx.msk $0xffff, v29;
	v8 =	vmov v13;
	v13 =	vmov v14;
	v14 =	vmov v31  }
0x1b6: {  	_ =	sdelay $0x3  }
0x1b7: {  	v28 =	vld.idx.msk [tilespmem:v15+s21+$0x0], $0xffff  }
0x1b8: {  	v25 =	vshll.u32 v25, $0x3;
	v27 =	vld.idx.msk [tilespmem:v27+s21+$0x0], $0xffff  }
0x1b9: {  	v23 =	vshll.u32 v23, $0x3;
	v29 =	vld.idx.msk [tilespmem:v14+s21+$0x0], $0xffff;
	v25 =	vor.u32 v1, v25  }
0x1ba: {  	v30 =	vld.idx.msk [tilespmem:v20+s21+$0x0], $0xffff;
	v23 =	vor.u32 v1, v23;
	v21 =	vshll.u32 v21, $0x3  }
0x1bb: {  	v21 =	vor.u32 v1, v21;
	v24 =	vshll.u32 v24, $0x3  }
0x1bc: {  	v26 =	vld.idx.msk [tilespmem:v26+s16+$0x0], $0xffff;
	v24 =	vor.u32 v1, v24;
	v28 =	vshll.u32 v28, $0x3  }
0x1bd: {  	v22 =	vld.idx.msk [tilespmem:v22+s16+$0x0], $0xffff;
	v27 =	vshll.u32 v27, $0x3;
	v28 =	vor.u32 v1, v28  }
0x1be: {  	[tilespmem:v5+s22+$0x0] =	vst.idx.msk $0xffff, v17;
	v57 =	vshll.u32 v29, $0x3;
	v5 =	vld.idx.msk [tilespmem:v25+s16+$0x0], $0xffff;
	v56 =	vor.u32 v1, v27  }
0x1bf: {  	[tilespmem:v9+s22+$0x0] =	vst.idx.msk $0xffff, v19;
	v60 =	vshll.u32 v30, $0x3;
	v58 =	vld.idx.msk [tilespmem:v23+s16+$0x0], $0xffff;
	v59 =	vor.u32 v1, v57  }
0x1c0: {  	[tilespmem:v7+s22+$0x0] =	vst.idx.msk $0xffff, v18;
	v61 =	vor.u32 v1, v60;
	v7 =	vld.idx.msk [tilespmem:v21+s16+$0x0], $0xffff  }
0x1c1: {  	[tilespmem:v8+s22+$0x0] =	vst.idx.msk $0xffff, v26;
	v62 =	vld.idx.msk [tilespmem:v24+s16+$0x0], $0xffff  }
0x1c2: {  	[tilespmem:v6+s22+$0x0] =	vst.idx.msk $0xffff, v22;
	v6 =	vld.idx.msk [tilespmem:v28+s16+$0x0], $0xffff  }
0x1c3: {  	[tilespmem:v11+s22+$0x0] =	vst.idx.msk $0xffff, v5;
	v5 =	vld.idx.msk [tilespmem:v56+s16+$0x0], $0xffff  }
0x1c4: {  	[tilespmem:v12+s22+$0x0] =	vst.idx.msk $0xffff, v58;
	v63 =	vld.idx.msk [tilespmem:v59+s16+$0x0], $0xffff  }
0x1c5: {  	[tilespmem:v13+s22+$0x0] =	vst.idx.msk $0xffff, v7;
	v7 =	vld.idx.msk [tilespmem:v61+s16+$0x0], $0xffff  }
0x1c6: {  	[tilespmem:v10+s22+$0x0] =	vst.idx.msk $0xffff, v62  }
0x1c7: {  	[tilespmem:v15+s22+$0x0] =	vst.idx.msk $0xffff, v6  }
0x1c8: {  	[tilespmem:v16+s22+$0x0] =	vst.idx.msk $0xffff, v5  }
0x1c9: {  	[tilespmem:v14+s22+$0x0] =	vst.idx.msk $0xffff, v63  }
0x1ca: {  	s0 =	sadd.s32 s3, s0;
	s4 =	simm.s32 $0x18000;
	[tilespmem:v20+s22+$0x0] =	vst.idx.msk $0xffff, v7  }
0x1cb: {  	[hbm4b:s0+s11] =	stream.strided.scatter [tilespmem:s4], [sflag:$0x4], $0x40, s12, s11, $0x38;
	[tilespmem:$0x1C000] =	vst v63  }
0x1cc: {  	s4 =	simm.s32 $0x100  }
.LBB2_33:
0x1cd: {  	p0 =	sne.s32 s4, $0x7F00  }
.Ltmp15:
0x1ce: {  	_ = 	snop;
	(pc) =	sbr.rel @p0 .LBB2_33-.Ltmp15, $4  }
0x1cf: {  	_ = 	snop  }
0x1d0: {  	s5 =	sshra.s32 s4, $0x2;
	s4 =	sadd.s32 $0x100, s4  }
0x1d1: {  	s0 =	sadd.s32 $0x400, s0;
	s5 =	sadd.s32 $0x18000, s5  }
0x1d2: {  	[hbm4b:s0+s11] =	stream.strided.scatter [tilespmem:s5], [sflag:$0x4], $0x40, s12, s11, $0x38;
	[tilespmem:$0x1C000] =	vst v63  }
0x1d3: {  	_ =	swait.ge [sflag:s23], $0x2000  }
0x1d4: {  	s0 =	sor.u32 $0xC0000, s30;
	[sflag:s23] =	ssyncset.done $0x0  }
0x1d5: {  	s5 =	simm.s32 $0x14000;
	s4 =	sadd.s32 s2, s0;
	[sflag:s23] =	ssyncadd.s32 $0xFFFFE000  }
0x1d6: {  	[tilespmem:s5], [sflag:$0x2] =	stream.strided.gather [hbm4b:s4+s11], $0x40, s12, s11, $0x38;
	[tilespmem:$0x1C000] =	vst v63  }
0x1d7: {  	s5 =	simm.s32 $0x100  }
.LBB2_35:
0x1d8: {  	p0 =	sne.s32 s5, $0x7F00  }
.Ltmp16:
0x1d9: {  	_ = 	snop;
	(pc) =	sbr.rel @p0 .LBB2_35-.Ltmp16, $4  }
0x1da: {  	_ = 	snop  }
0x1db: {  	s9 =	sshra.s32 s5, $0x2;
	s5 =	sadd.s32 $0x100, s5  }
0x1dc: {  	s4 =	sadd.s32 $0x400, s4;
	s9 =	sadd.s32 $0x14000, s9  }
0x1dd: {  	[tilespmem:s9], [sflag:$0x2] =	stream.strided.gather [hbm4b:s4+s11], $0x40, s12, s11, $0x38;
	[tilespmem:$0x1C000] =	vst v63  }
0x1de: {  	s4 =	simm.s32 $0x0  }
0x1df: {  	v5 =	vmov s4  }
0x1e0: {  	v5 =	vshrl.u32 v5, $0x3  }
0x1e1: {  	v5 =	vshll.u32 v5, $0x6  }
0x1e2: {  	v5 =	vbroadcast v5, $0x0;
	_ =	sdelay $0x1  }
0x1e3: {  	v14 =	vor.u32 v4, v5  }
0x1e4: {  	s5 =	simm.s32 $0x8;
	v15 =	vor.u32 v0, v5  }
0x1e5: {  	_ =	swait.ge [sflag:s28], $0x2000;
	v6 =	vmov s5;
	v16 =	vor.u32 v2, v5  }
0x1e6: {  	[sflag:s28] =	ssyncset.done $0x0;
	v6 =	vshrl.u32 v6, $0x3  }
0x1e7: {  	[sflag:s28] =	ssyncadd.s32 $0xFFFFE000;
	v6 =	vshll.u32 v6, $0x6;
	v5 =	vor.u32 v3, v5  }
0x1e8: {  	v6 =	vbroadcast v6, $0x0;
	v10 =	vld.idx.msk [tilespmem:v14+s24+$0x0], $0xffff  }
0x1e9: {  	v11 =	vld.idx.msk [tilespmem:v15+s24+$0x0], $0xffff  }
0x1ea: {  	v9 =	vor.u32 v4, v6;
	v12 =	vld.idx.msk [tilespmem:v16+s24+$0x0], $0xffff  }
0x1eb: {  	s9 =	simm.s32 $0x10;
	v7 =	vor.u32 v0, v6  }
0x1ec: {  	v17 =	vmov s9;
	v8 =	vor.u32 v2, v6;
	v13 =	vld.idx.msk [tilespmem:v5+s24+$0x0], $0xffff  }
0x1ed: {  	v17 =	vshrl.u32 v17, $0x3;
	v6 =	vor.u32 v3, v6;
	v10 =	vshll.u32 v10, $0x3  }
0x1ee: {  	v17 =	vshll.u32 v17, $0x6;
	v11 =	vshll.u32 v11, $0x3;
	v10 =	vor.u32 v1, v10  }
0x1ef: {  	v17 =	vbroadcast v17, $0x0;
	v18 =	vld.idx.msk [tilespmem:v9+s24+$0x0], $0xffff;
	v19 =	vor.u32 v1, v11;
	v11 =	vshll.u32 v12, $0x3  }
0x1f0: {  	v20 =	vld.idx.msk [tilespmem:v7+s24+$0x0], $0xffff;
	v21 =	vor.u32 v1, v11  }
0x1f1: {  	v22 =	vld.idx.msk [tilespmem:v8+s24+$0x0], $0xffff;
	v11 =	vshll.u32 v13, $0x3;
	v13 =	vor.u32 v2, v17  }
0x1f2: {  	v24 =	vld.idx.msk [tilespmem:v6+s24+$0x0], $0xffff;
	v23 =	vor.u32 v1, v11  }
0x1f3: {  	v11 =	vor.u32 v4, v17;
	v27 =	vld.idx.msk [tilespmem:v10+s16+$0x0], $0xffff  }
0x1f4: {  	s17 =	simm.s32 $0x18;
	v12 =	vor.u32 v0, v17;
	v28 =	vld.idx.msk [tilespmem:v19+s16+$0x0], $0xffff  }
0x1f5: {  	v10 =	vor.u32 v3, v17;
	v17 =	vshll.u32 v18, $0x3;
	v18 =	vmov s17;
	v29 =	vld.idx.msk [tilespmem:v21+s16+$0x0], $0xffff  }
0x1f6: {  	v19 =	vshll.u32 v20, $0x3;
	v20 =	vor.u32 v1, v17;
	v18 =	vshrl.u32 v18, $0x3;
	v21 =	vld.idx.msk [tilespmem:v13+s24+$0x0], $0xffff  }
0x1f7: {  	v30 =	vor.u32 v1, v19;
	v19 =	vshll.u32 v22, $0x3;
	v17 =	vld.idx.msk [tilespmem:v23+s16+$0x0], $0xffff;
	v18 =	vshll.u32 v18, $0x6  }
0x1f8: {  	v22 =	vshll.u32 v24, $0x3;
	v25 =	vld.idx.msk [tilespmem:v11+s24+$0x0], $0xffff;
	v26 =	vor.u32 v1, v19;
	v18 =	vbroadcast v18, $0x0  }
0x1f9: {  	v23 =	vld.idx.msk [tilespmem:v12+s24+$0x0], $0xffff;
	v22 =	vor.u32 v1, v22  }
0x1fa: {  	v24 =	vld.idx.msk [tilespmem:v10+s24+$0x0], $0xffff;
	[tilespmem:v15+s25+$0x0] =	vst.idx.msk $0xffff, v28;
	v15 =	vor.u32 v4, v18  }
0x1fb: {  	[tilespmem:v14+s25+$0x0] =	vst.idx.msk $0xffff, v27;
	v27 =	vor.u32 v0, v18;
	v14 =	vor.u32 v2, v18;
	v19 =	vld.idx.msk [tilespmem:v20+s16+$0x0], $0xffff  }
0x1fc: {  	s9 =	simm.s32 $0xC;
	s4 =	simm.s32 $0x20;
	v20 =	vor.u32 v3, v18;
	v18 =	vld.idx.msk [tilespmem:v30+s16+$0x0], $0xffff;
	[tilespmem:v16+s25+$0x0] =	vst.idx.msk $0xffff, v29;
	v16 =	vmov v27  }
.LBB2_37:
0x1fd: {  	v28 =	vmov s4;
	s9 =	sadd.s32 $0x4, s9;
	v25 =	vshll.u32 v25, $0x3;
	v29 =	vld.idx.msk [tilespmem:v26+s16+$0x0], $0xffff;
	[tilespmem:v5+s25+$0x0] =	vst.idx.msk $0xffff, v17;
	v5 =	vmovc v6;
	v6 =	vmovc v10;
	v10 =	vmov v20  }
0x1fe: {  	v23 =	vshll.u32 v23, $0x3;
	v20 =	vshrl.u32 v28, $0x3;
	p0 =	slt.u32 s9, $0x1FC;
	v28 =	vor.u32 v1, v25;
	v17 =	vld.idx.msk [tilespmem:v22+s16+$0x0], $0xffff  }
0x1ff: {  	v30 =	vor.u32 v1, v23;
	v21 =	vshll.u32 v21, $0x3;
	v20 =	vshll.u32 v20, $0x6;
	v25 =	vld.idx.msk [tilespmem:v15+s24+$0x0], $0xffff  }
.Ltmp17:
0x200: {  	v26 =	vor.u32 v1, v21;
	v22 =	vshll.u32 v24, $0x3;
	v20 =	vbroadcast v20, $0x0;
	v23 =	vld.idx.msk [tilespmem:v27+s24+$0x0], $0xffff;
	(pc) =	sbr.rel @p0 .LBB2_37-.Ltmp17, $4  }
0x201: {  	v22 =	vor.u32 v1, v22;
	v21 =	vld.idx.msk [tilespmem:v14+s24+$0x0], $0xffff;
	[tilespmem:v9+s25+$0x0] =	vst.idx.msk $0xffff, v19;
	v9 =	vmov v11;
	v11 =	vmov v15  }
0x202: {  	v27 =	vor.u32 v0, v20;
	v31 =	vor.u32 v2, v20;
	v15 =	vor.u32 v4, v20;
	v24 =	vld.idx.msk [tilespmem:v10+s24+$0x0], $0xffff  }
0x203: {  	v20 =	vor.u32 v3, v20;
	v19 =	vld.idx.msk [tilespmem:v28+s16+$0x0], $0xffff;
	[tilespmem:v7+s25+$0x0] =	vst.idx.msk $0xffff, v18;
	v7 =	vmov v12;
	v12 =	vmov v16  }
0x204: {  	s4 =	sadd.s32 $0x8, s4;
	v16 =	vmovc v27;
	v18 =	vld.idx.msk [tilespmem:v30+s16+$0x0], $0xffff;
	[tilespmem:v8+s25+$0x0] =	vst.idx.msk $0xffff, v29;
	v8 =	vmov v13;
	v13 =	vmov v14;
	v14 =	vmov v31  }
0x205: {  	_ =	sdelay $0x3  }
0x206: {  	v28 =	vld.idx.msk [tilespmem:v15+s24+$0x0], $0xffff  }
0x207: {  	v25 =	vshll.u32 v25, $0x3;
	v27 =	vld.idx.msk [tilespmem:v27+s24+$0x0], $0xffff  }
0x208: {  	v23 =	vshll.u32 v23, $0x3;
	v29 =	vld.idx.msk [tilespmem:v14+s24+$0x0], $0xffff;
	v25 =	vor.u32 v1, v25  }
0x209: {  	v30 =	vld.idx.msk [tilespmem:v20+s24+$0x0], $0xffff;
	v23 =	vor.u32 v1, v23;
	v21 =	vshll.u32 v21, $0x3  }
0x20a: {  	v21 =	vor.u32 v1, v21;
	v24 =	vshll.u32 v24, $0x3  }
0x20b: {  	v26 =	vld.idx.msk [tilespmem:v26+s16+$0x0], $0xffff;
	v24 =	vor.u32 v1, v24;
	v28 =	vshll.u32 v28, $0x3  }
0x20c: {  	v22 =	vld.idx.msk [tilespmem:v22+s16+$0x0], $0xffff;
	v27 =	vshll.u32 v27, $0x3;
	v28 =	vor.u32 v1, v28  }
0x20d: {  	[tilespmem:v5+s25+$0x0] =	vst.idx.msk $0xffff, v17;
	v57 =	vshll.u32 v29, $0x3;
	v5 =	vld.idx.msk [tilespmem:v25+s16+$0x0], $0xffff;
	v56 =	vor.u32 v1, v27  }
0x20e: {  	[tilespmem:v9+s25+$0x0] =	vst.idx.msk $0xffff, v19;
	v60 =	vshll.u32 v30, $0x3;
	v58 =	vld.idx.msk [tilespmem:v23+s16+$0x0], $0xffff;
	v59 =	vor.u32 v1, v57  }
0x20f: {  	[tilespmem:v7+s25+$0x0] =	vst.idx.msk $0xffff, v18;
	v61 =	vor.u32 v1, v60;
	v7 =	vld.idx.msk [tilespmem:v21+s16+$0x0], $0xffff  }
0x210: {  	[tilespmem:v8+s25+$0x0] =	vst.idx.msk $0xffff, v26;
	v62 =	vld.idx.msk [tilespmem:v24+s16+$0x0], $0xffff  }
0x211: {  	[tilespmem:v6+s25+$0x0] =	vst.idx.msk $0xffff, v22;
	v6 =	vld.idx.msk [tilespmem:v28+s16+$0x0], $0xffff  }
0x212: {  	[tilespmem:v11+s25+$0x0] =	vst.idx.msk $0xffff, v5;
	v5 =	vld.idx.msk [tilespmem:v56+s16+$0x0], $0xffff  }
0x213: {  	[tilespmem:v12+s25+$0x0] =	vst.idx.msk $0xffff, v58;
	v63 =	vld.idx.msk [tilespmem:v59+s16+$0x0], $0xffff  }
0x214: {  	[tilespmem:v13+s25+$0x0] =	vst.idx.msk $0xffff, v7;
	v7 =	vld.idx.msk [tilespmem:v61+s16+$0x0], $0xffff  }
0x215: {  	[tilespmem:v10+s25+$0x0] =	vst.idx.msk $0xffff, v62  }
0x216: {  	[tilespmem:v15+s25+$0x0] =	vst.idx.msk $0xffff, v6  }
0x217: {  	[tilespmem:v16+s25+$0x0] =	vst.idx.msk $0xffff, v5  }
0x218: {  	[tilespmem:v14+s25+$0x0] =	vst.idx.msk $0xffff, v63  }
0x219: {  	s4 =	sadd.s32 s3, s31;
	s5 =	simm.s32 $0x1A000;
	[tilespmem:v20+s25+$0x0] =	vst.idx.msk $0xffff, v7  }
0x21a: {  	[hbm4b:s4+s11] =	stream.strided.scatter [tilespmem:s5], [sflag:$0x5], $0x40, s12, s11, $0x38;
	[tilespmem:$0x1C000] =	vst v63  }
0x21b: {  	s5 =	simm.s32 $0x100  }
.LBB2_39:
0x21c: {  	p0 =	sne.s32 s5, $0x7F00  }
.Ltmp18:
0x21d: {  	_ = 	snop;
	(pc) =	sbr.rel @p0 .LBB2_39-.Ltmp18, $4  }
0x21e: {  	_ = 	snop  }
0x21f: {  	s9 =	sshra.s32 s5, $0x2;
	s5 =	sadd.s32 $0x100, s5  }
0x220: {  	s4 =	sadd.s32 $0x400, s4;
	s9 =	sadd.s32 $0x1A000, s9  }
0x221: {  	[hbm4b:s4+s11] =	stream.strided.scatter [tilespmem:s9], [sflag:$0x5], $0x40, s12, s11, $0x38;
	[tilespmem:$0x1C000] =	vst v63  }
0x222: {  	_ =	swait.ge [sflag:s20], $0x2000  }
0x223: {  	s30 =	sor.u32 $0xE0000, s30;
	[sflag:s20] =	ssyncset.done $0x0  }
0x224: {  	s5 =	simm.s32 $0x16000;
	s4 =	sadd.s32 s2, s30;
	[sflag:s20] =	ssyncadd.s32 $0xFFFFE000  }
0x225: {  	[tilespmem:s5], [sflag:$0x3] =	stream.strided.gather [hbm4b:s4+s11], $0x40, s12, s11, $0x38;
	[tilespmem:$0x1C000] =	vst v63  }
0x226: {  	s5 =	simm.s32 $0x100  }
.LBB2_41:
0x227: {  	p0 =	sne.s32 s5, $0x7F00  }
.Ltmp19:
0x228: {  	_ = 	snop;
	(pc) =	sbr.rel @p0 .LBB2_41-.Ltmp19, $4  }
0x229: {  	_ = 	snop  }
0x22a: {  	s9 =	sshra.s32 s5, $0x2;
	s5 =	sadd.s32 $0x100, s5  }
0x22b: {  	s4 =	sadd.s32 $0x400, s4;
	s9 =	sadd.s32 $0x16000, s9  }
0x22c: {  	[tilespmem:s9], [sflag:$0x3] =	stream.strided.gather [hbm4b:s4+s11], $0x40, s12, s11, $0x38;
	[tilespmem:$0x1C000] =	vst v63  }
0x22d: {  	s4 =	simm.s32 $0x0  }
0x22e: {  	v5 =	vmov s4  }
0x22f: {  	v5 =	vshrl.u32 v5, $0x3  }
0x230: {  	v5 =	vshll.u32 v5, $0x6  }
0x231: {  	v5 =	vbroadcast v5, $0x0;
	_ =	sdelay $0x1  }
0x232: {  	v14 =	vor.u32 v4, v5  }
0x233: {  	s9 =	simm.s32 $0x8;
	v15 =	vor.u32 v0, v5  }
0x234: {  	_ =	swait.ge [sflag:s26], $0x2000;
	v6 =	vmov s9;
	v16 =	vor.u32 v2, v5  }
0x235: {  	[sflag:s26] =	ssyncset.done $0x0;
	v6 =	vshrl.u32 v6, $0x3  }
0x236: {  	[sflag:s26] =	ssyncadd.s32 $0xFFFFE000;
	v6 =	vshll.u32 v6, $0x6;
	v5 =	vor.u32 v3, v5  }
0x237: {  	v6 =	vbroadcast v6, $0x0;
	v10 =	vld.idx.msk [tilespmem:v14+s21+$0x0], $0xffff  }
0x238: {  	v11 =	vld.idx.msk [tilespmem:v15+s21+$0x0], $0xffff  }
0x239: {  	v9 =	vor.u32 v4, v6;
	v12 =	vld.idx.msk [tilespmem:v16+s21+$0x0], $0xffff  }
0x23a: {  	s17 =	simm.s32 $0x10;
	v7 =	vor.u32 v0, v6  }
0x23b: {  	v17 =	vmov s17;
	v8 =	vor.u32 v2, v6;
	v13 =	vld.idx.msk [tilespmem:v5+s21+$0x0], $0xffff  }
0x23c: {  	v17 =	vshrl.u32 v17, $0x3;
	v6 =	vor.u32 v3, v6;
	v10 =	vshll.u32 v10, $0x3  }
0x23d: {  	v17 =	vshll.u32 v17, $0x6;
	v11 =	vshll.u32 v11, $0x3;
	v10 =	vor.u32 v1, v10  }
0x23e: {  	v17 =	vbroadcast v17, $0x0;
	v18 =	vld.idx.msk [tilespmem:v9+s21+$0x0], $0xffff;
	v19 =	vor.u32 v1, v11;
	v11 =	vshll.u32 v12, $0x3  }
0x23f: {  	v20 =	vld.idx.msk [tilespmem:v7+s21+$0x0], $0xffff;
	v21 =	vor.u32 v1, v11  }
0x240: {  	v22 =	vld.idx.msk [tilespmem:v8+s21+$0x0], $0xffff;
	v11 =	vshll.u32 v13, $0x3;
	v13 =	vor.u32 v2, v17  }
0x241: {  	v24 =	vld.idx.msk [tilespmem:v6+s21+$0x0], $0xffff;
	v23 =	vor.u32 v1, v11  }
0x242: {  	v11 =	vor.u32 v4, v17;
	v27 =	vld.idx.msk [tilespmem:v10+s16+$0x0], $0xffff  }
0x243: {  	s31 =	simm.s32 $0x18;
	v12 =	vor.u32 v0, v17;
	v28 =	vld.idx.msk [tilespmem:v19+s16+$0x0], $0xffff  }
0x244: {  	v10 =	vor.u32 v3, v17;
	v17 =	vshll.u32 v18, $0x3;
	v18 =	vmov s31;
	v29 =	vld.idx.msk [tilespmem:v21+s16+$0x0], $0xffff  }
0x245: {  	v19 =	vshll.u32 v20, $0x3;
	v20 =	vor.u32 v1, v17;
	v18 =	vshrl.u32 v18, $0x3;
	v21 =	vld.idx.msk [tilespmem:v13+s21+$0x0], $0xffff  }
0x246: {  	v30 =	vor.u32 v1, v19;
	v19 =	vshll.u32 v22, $0x3;
	v17 =	vld.idx.msk [tilespmem:v23+s16+$0x0], $0xffff;
	v18 =	vshll.u32 v18, $0x6  }
0x247: {  	v22 =	vshll.u32 v24, $0x3;
	v25 =	vld.idx.msk [tilespmem:v11+s21+$0x0], $0xffff;
	v26 =	vor.u32 v1, v19;
	v18 =	vbroadcast v18, $0x0  }
0x248: {  	v23 =	vld.idx.msk [tilespmem:v12+s21+$0x0], $0xffff;
	v22 =	vor.u32 v1, v22  }
0x249: {  	v24 =	vld.idx.msk [tilespmem:v10+s21+$0x0], $0xffff;
	[tilespmem:v15+s22+$0x0] =	vst.idx.msk $0xffff, v28;
	v15 =	vor.u32 v4, v18  }
0x24a: {  	[tilespmem:v14+s22+$0x0] =	vst.idx.msk $0xffff, v27;
	v27 =	vor.u32 v0, v18;
	v14 =	vor.u32 v2, v18;
	v19 =	vld.idx.msk [tilespmem:v20+s16+$0x0], $0xffff  }
0x24b: {  	s9 =	simm.s32 $0xC;
	s4 =	simm.s32 $0x20;
	v20 =	vor.u32 v3, v18;
	v18 =	vld.idx.msk [tilespmem:v30+s16+$0x0], $0xffff;
	[tilespmem:v16+s22+$0x0] =	vst.idx.msk $0xffff, v29;
	v16 =	vmov v27  }
.LBB2_43:
0x24c: {  	v28 =	vmov s4;
	s9 =	sadd.s32 $0x4, s9;
	v25 =	vshll.u32 v25, $0x3;
	v29 =	vld.idx.msk [tilespmem:v26+s16+$0x0], $0xffff;
	[tilespmem:v5+s22+$0x0] =	vst.idx.msk $0xffff, v17;
	v5 =	vmovc v6;
	v6 =	vmovc v10;
	v10 =	vmov v20  }
0x24d: {  	v23 =	vshll.u32 v23, $0x3;
	v20 =	vshrl.u32 v28, $0x3;
	p0 =	slt.u32 s9, $0x1FC;
	v28 =	vor.u32 v1, v25;
	v17 =	vld.idx.msk [tilespmem:v22+s16+$0x0], $0xffff  }
0x24e: {  	v30 =	vor.u32 v1, v23;
	v21 =	vshll.u32 v21, $0x3;
	v20 =	vshll.u32 v20, $0x6;
	v25 =	vld.idx.msk [tilespmem:v15+s21+$0x0], $0xffff  }
.Ltmp20:
0x24f: {  	v26 =	vor.u32 v1, v21;
	v22 =	vshll.u32 v24, $0x3;
	v20 =	vbroadcast v20, $0x0;
	v23 =	vld.idx.msk [tilespmem:v27+s21+$0x0], $0xffff;
	(pc) =	sbr.rel @p0 .LBB2_43-.Ltmp20, $4  }
0x250: {  	v22 =	vor.u32 v1, v22;
	v21 =	vld.idx.msk [tilespmem:v14+s21+$0x0], $0xffff;
	[tilespmem:v9+s22+$0x0] =	vst.idx.msk $0xffff, v19;
	v9 =	vmov v11;
	v11 =	vmov v15  }
0x251: {  	v27 =	vor.u32 v0, v20;
	v31 =	vor.u32 v2, v20;
	v15 =	vor.u32 v4, v20;
	v24 =	vld.idx.msk [tilespmem:v10+s21+$0x0], $0xffff  }
0x252: {  	v20 =	vor.u32 v3, v20;
	v19 =	vld.idx.msk [tilespmem:v28+s16+$0x0], $0xffff;
	[tilespmem:v7+s22+$0x0] =	vst.idx.msk $0xffff, v18;
	v7 =	vmov v12;
	v12 =	vmov v16  }
0x253: {  	s4 =	sadd.s32 $0x8, s4;
	v16 =	vmovc v27;
	v18 =	vld.idx.msk [tilespmem:v30+s16+$0x0], $0xffff;
	[tilespmem:v8+s22+$0x0] =	vst.idx.msk $0xffff, v29;
	v8 =	vmov v13;
	v13 =	vmov v14;
	v14 =	vmov v31  }
0x254: {  	_ =	sdelay $0x3  }
0x255: {  	v28 =	vld.idx.msk [tilespmem:v15+s21+$0x0], $0xffff  }
0x256: {  	v25 =	vshll.u32 v25, $0x3;
	v27 =	vld.idx.msk [tilespmem:v27+s21+$0x0], $0xffff  }
0x257: {  	v23 =	vshll.u32 v23, $0x3;
	v29 =	vld.idx.msk [tilespmem:v14+s21+$0x0], $0xffff;
	v25 =	vor.u32 v1, v25  }
0x258: {  	v30 =	vld.idx.msk [tilespmem:v20+s21+$0x0], $0xffff;
	v23 =	vor.u32 v1, v23;
	v21 =	vshll.u32 v21, $0x3  }
0x259: {  	v21 =	vor.u32 v1, v21;
	v24 =	vshll.u32 v24, $0x3  }
0x25a: {  	v26 =	vld.idx.msk [tilespmem:v26+s16+$0x0], $0xffff;
	v24 =	vor.u32 v1, v24;
	v28 =	vshll.u32 v28, $0x3  }
0x25b: {  	v22 =	vld.idx.msk [tilespmem:v22+s16+$0x0], $0xffff;
	v27 =	vshll.u32 v27, $0x3;
	v28 =	vor.u32 v1, v28  }
0x25c: {  	[tilespmem:v5+s22+$0x0] =	vst.idx.msk $0xffff, v17;
	v57 =	vshll.u32 v29, $0x3;
	v5 =	vld.idx.msk [tilespmem:v25+s16+$0x0], $0xffff;
	v56 =	vor.u32 v1, v27  }
0x25d: {  	[tilespmem:v9+s22+$0x0] =	vst.idx.msk $0xffff, v19;
	v60 =	vshll.u32 v30, $0x3;
	v58 =	vld.idx.msk [tilespmem:v23+s16+$0x0], $0xffff;
	v59 =	vor.u32 v1, v57  }
0x25e: {  	[tilespmem:v7+s22+$0x0] =	vst.idx.msk $0xffff, v18;
	v61 =	vor.u32 v1, v60;
	v7 =	vld.idx.msk [tilespmem:v21+s16+$0x0], $0xffff  }
0x25f: {  	[tilespmem:v8+s22+$0x0] =	vst.idx.msk $0xffff, v26;
	v62 =	vld.idx.msk [tilespmem:v24+s16+$0x0], $0xffff  }
0x260: {  	[tilespmem:v6+s22+$0x0] =	vst.idx.msk $0xffff, v22;
	v6 =	vld.idx.msk [tilespmem:v28+s16+$0x0], $0xffff  }
0x261: {  	[tilespmem:v11+s22+$0x0] =	vst.idx.msk $0xffff, v5;
	v5 =	vld.idx.msk [tilespmem:v56+s16+$0x0], $0xffff  }
0x262: {  	[tilespmem:v12+s22+$0x0] =	vst.idx.msk $0xffff, v58;
	v63 =	vld.idx.msk [tilespmem:v59+s16+$0x0], $0xffff  }
0x263: {  	[tilespmem:v13+s22+$0x0] =	vst.idx.msk $0xffff, v7;
	v7 =	vld.idx.msk [tilespmem:v61+s16+$0x0], $0xffff  }
0x264: {  	[tilespmem:v10+s22+$0x0] =	vst.idx.msk $0xffff, v62  }
0x265: {  	[tilespmem:v15+s22+$0x0] =	vst.idx.msk $0xffff, v6  }
0x266: {  	[tilespmem:v16+s22+$0x0] =	vst.idx.msk $0xffff, v5  }
0x267: {  	[tilespmem:v14+s22+$0x0] =	vst.idx.msk $0xffff, v63  }
0x268: {  	s0 =	sadd.s32 s3, s0;
	s4 =	simm.s32 $0x18000;
	[tilespmem:v20+s22+$0x0] =	vst.idx.msk $0xffff, v7  }
0x269: {  	[hbm4b:s0+s11] =	stream.strided.scatter [tilespmem:s4], [sflag:$0x4], $0x40, s12, s11, $0x38;
	[tilespmem:$0x1C000] =	vst v63  }
0x26a: {  	s4 =	simm.s32 $0x100  }
.LBB2_45:
0x26b: {  	p0 =	sne.s32 s4, $0x7F00  }
.Ltmp21:
0x26c: {  	_ = 	snop;
	(pc) =	sbr.rel @p0 .LBB2_45-.Ltmp21, $4  }
0x26d: {  	_ = 	snop  }
0x26e: {  	s5 =	sshra.s32 s4, $0x2;
	s4 =	sadd.s32 $0x100, s4  }
0x26f: {  	s0 =	sadd.s32 $0x400, s0;
	s5 =	sadd.s32 $0x18000, s5  }
0x270: {  	[hbm4b:s0+s11] =	stream.strided.scatter [tilespmem:s5], [sflag:$0x4], $0x40, s12, s11, $0x38;
	[tilespmem:$0x1C000] =	vst v63  }
0x271: {  	s0 =	simm.s32 $0x0  }
0x272: {  	v5 =	vmov s0  }
0x273: {  	v5 =	vshrl.u32 v5, $0x3  }
0x274: {  	v5 =	vshll.u32 v5, $0x6  }
0x275: {  	v5 =	vbroadcast v5, $0x0  }
0x276: {  	_ =	swait.ge [sflag:s23], $0x2000  }
0x277: {  	[sflag:s23] =	ssyncset.done $0x0;
	v14 =	vor.u32 v4, v5  }
0x278: {  	s9 =	simm.s32 $0x8;
	[sflag:s23] =	ssyncadd.s32 $0xFFFFE000;
	v15 =	vor.u32 v0, v5  }
0x279: {  	v6 =	vmov s9;
	_ =	swait.ge [sflag:s28], $0x2000;
	v16 =	vor.u32 v2, v5  }
0x27a: {  	v6 =	vshrl.u32 v6, $0x3;
	[sflag:s28] =	ssyncset.done $0x0  }
0x27b: {  	v6 =	vshll.u32 v6, $0x6;
	[sflag:s28] =	ssyncadd.s32 $0xFFFFE000;
	v5 =	vor.u32 v3, v5  }
0x27c: {  	v6 =	vbroadcast v6, $0x0;
	v10 =	vld.idx.msk [tilespmem:v14+s24+$0x0], $0xffff  }
0x27d: {  	v11 =	vld.idx.msk [tilespmem:v15+s24+$0x0], $0xffff  }
0x27e: {  	v9 =	vor.u32 v4, v6;
	v12 =	vld.idx.msk [tilespmem:v16+s24+$0x0], $0xffff  }
0x27f: {  	s17 =	simm.s32 $0x10;
	v7 =	vor.u32 v0, v6  }
0x280: {  	v17 =	vmov s17;
	v8 =	vor.u32 v2, v6;
	v13 =	vld.idx.msk [tilespmem:v5+s24+$0x0], $0xffff  }
0x281: {  	v17 =	vshrl.u32 v17, $0x3;
	v6 =	vor.u32 v3, v6;
	v10 =	vshll.u32 v10, $0x3  }
0x282: {  	v17 =	vshll.u32 v17, $0x6;
	v11 =	vshll.u32 v11, $0x3;
	v10 =	vor.u32 v1, v10  }
0x283: {  	v17 =	vbroadcast v17, $0x0;
	v18 =	vld.idx.msk [tilespmem:v9+s24+$0x0], $0xffff;
	v19 =	vor.u32 v1, v11;
	v11 =	vshll.u32 v12, $0x3  }
0x284: {  	v20 =	vld.idx.msk [tilespmem:v7+s24+$0x0], $0xffff;
	v21 =	vor.u32 v1, v11  }
0x285: {  	v22 =	vld.idx.msk [tilespmem:v8+s24+$0x0], $0xffff;
	v11 =	vshll.u32 v13, $0x3;
	v13 =	vor.u32 v2, v17  }
0x286: {  	v24 =	vld.idx.msk [tilespmem:v6+s24+$0x0], $0xffff;
	v23 =	vor.u32 v1, v11  }
0x287: {  	v11 =	vor.u32 v4, v17;
	v27 =	vld.idx.msk [tilespmem:v10+s16+$0x0], $0xffff  }
0x288: {  	s31 =	simm.s32 $0x18;
	v12 =	vor.u32 v0, v17;
	v28 =	vld.idx.msk [tilespmem:v19+s16+$0x0], $0xffff  }
0x289: {  	v10 =	vor.u32 v3, v17;
	v17 =	vshll.u32 v18, $0x3;
	v18 =	vmov s31;
	v29 =	vld.idx.msk [tilespmem:v21+s16+$0x0], $0xffff  }
0x28a: {  	v19 =	vshll.u32 v20, $0x3;
	v20 =	vor.u32 v1, v17;
	v18 =	vshrl.u32 v18, $0x3;
	v21 =	vld.idx.msk [tilespmem:v13+s24+$0x0], $0xffff  }
0x28b: {  	v30 =	vor.u32 v1, v19;
	v19 =	vshll.u32 v22, $0x3;
	v17 =	vld.idx.msk [tilespmem:v23+s16+$0x0], $0xffff;
	v18 =	vshll.u32 v18, $0x6  }
0x28c: {  	v22 =	vshll.u32 v24, $0x3;
	v25 =	vld.idx.msk [tilespmem:v11+s24+$0x0], $0xffff;
	v26 =	vor.u32 v1, v19;
	v18 =	vbroadcast v18, $0x0  }
0x28d: {  	v23 =	vld.idx.msk [tilespmem:v12+s24+$0x0], $0xffff;
	v22 =	vor.u32 v1, v22  }
0x28e: {  	v24 =	vld.idx.msk [tilespmem:v10+s24+$0x0], $0xffff;
	[tilespmem:v15+s25+$0x0] =	vst.idx.msk $0xffff, v28;
	v15 =	vor.u32 v4, v18  }
0x28f: {  	[tilespmem:v14+s25+$0x0] =	vst.idx.msk $0xffff, v27;
	v27 =	vor.u32 v0, v18;
	v14 =	vor.u32 v2, v18;
	v19 =	vld.idx.msk [tilespmem:v20+s16+$0x0], $0xffff  }
0x290: {  	s4 =	simm.s32 $0x20;
	s0 =	simm.s32 $0xC;
	v20 =	vor.u32 v3, v18;
	v18 =	vld.idx.msk [tilespmem:v30+s16+$0x0], $0xffff;
	[tilespmem:v16+s25+$0x0] =	vst.idx.msk $0xffff, v29;
	v16 =	vmov v27  }
.LBB2_47:
0x291: {  	v28 =	vmov s4;
	s0 =	sadd.s32 $0x4, s0;
	v25 =	vshll.u32 v25, $0x3;
	v29 =	vld.idx.msk [tilespmem:v26+s16+$0x0], $0xffff;
	[tilespmem:v5+s25+$0x0] =	vst.idx.msk $0xffff, v17;
	v5 =	vmovc v6;
	v6 =	vmovc v10;
	v10 =	vmov v20  }
0x292: {  	v23 =	vshll.u32 v23, $0x3;
	v20 =	vshrl.u32 v28, $0x3;
	p0 =	slt.u32 s0, $0x1FC;
	v28 =	vor.u32 v1, v25;
	v17 =	vld.idx.msk [tilespmem:v22+s16+$0x0], $0xffff  }
0x293: {  	v30 =	vor.u32 v1, v23;
	v21 =	vshll.u32 v21, $0x3;
	v20 =	vshll.u32 v20, $0x6;
	v25 =	vld.idx.msk [tilespmem:v15+s24+$0x0], $0xffff  }
.Ltmp22:
0x294: {  	v26 =	vor.u32 v1, v21;
	v22 =	vshll.u32 v24, $0x3;
	v20 =	vbroadcast v20, $0x0;
	v23 =	vld.idx.msk [tilespmem:v27+s24+$0x0], $0xffff;
	(pc) =	sbr.rel @p0 .LBB2_47-.Ltmp22, $4  }
0x295: {  	v22 =	vor.u32 v1, v22;
	v21 =	vld.idx.msk [tilespmem:v14+s24+$0x0], $0xffff;
	[tilespmem:v9+s25+$0x0] =	vst.idx.msk $0xffff, v19;
	v9 =	vmov v11;
	v11 =	vmov v15  }
0x296: {  	v27 =	vor.u32 v0, v20;
	v31 =	vor.u32 v2, v20;
	v15 =	vor.u32 v4, v20;
	v24 =	vld.idx.msk [tilespmem:v10+s24+$0x0], $0xffff  }
0x297: {  	v20 =	vor.u32 v3, v20;
	v19 =	vld.idx.msk [tilespmem:v28+s16+$0x0], $0xffff;
	[tilespmem:v7+s25+$0x0] =	vst.idx.msk $0xffff, v18;
	v7 =	vmov v12;
	v12 =	vmov v16  }
0x298: {  	s4 =	sadd.s32 $0x8, s4;
	v16 =	vmovc v27;
	v18 =	vld.idx.msk [tilespmem:v30+s16+$0x0], $0xffff;
	[tilespmem:v8+s25+$0x0] =	vst.idx.msk $0xffff, v29;
	v8 =	vmov v13;
	v13 =	vmov v14;
	v14 =	vmov v31  }
0x299: {  	_ =	sdelay $0x3  }
0x29a: {  	v28 =	vld.idx.msk [tilespmem:v15+s24+$0x0], $0xffff  }
0x29b: {  	v25 =	vshll.u32 v25, $0x3;
	v27 =	vld.idx.msk [tilespmem:v27+s24+$0x0], $0xffff  }
0x29c: {  	v23 =	vshll.u32 v23, $0x3;
	v29 =	vld.idx.msk [tilespmem:v14+s24+$0x0], $0xffff;
	v25 =	vor.u32 v1, v25  }
0x29d: {  	v30 =	vld.idx.msk [tilespmem:v20+s24+$0x0], $0xffff;
	v23 =	vor.u32 v1, v23;
	v21 =	vshll.u32 v21, $0x3  }
0x29e: {  	v21 =	vor.u32 v1, v21;
	v24 =	vshll.u32 v24, $0x3  }
0x29f: {  	v26 =	vld.idx.msk [tilespmem:v26+s16+$0x0], $0xffff;
	v24 =	vor.u32 v1, v24;
	v28 =	vshll.u32 v28, $0x3  }
0x2a0: {  	v22 =	vld.idx.msk [tilespmem:v22+s16+$0x0], $0xffff;
	v27 =	vshll.u32 v27, $0x3;
	v28 =	vor.u32 v1, v28  }
0x2a1: {  	[tilespmem:v5+s25+$0x0] =	vst.idx.msk $0xffff, v17;
	v57 =	vshll.u32 v29, $0x3;
	v5 =	vld.idx.msk [tilespmem:v25+s16+$0x0], $0xffff;
	v56 =	vor.u32 v1, v27  }
0x2a2: {  	[tilespmem:v9+s25+$0x0] =	vst.idx.msk $0xffff, v19;
	v60 =	vshll.u32 v30, $0x3;
	v58 =	vld.idx.msk [tilespmem:v23+s16+$0x0], $0xffff;
	v59 =	vor.u32 v1, v57  }
0x2a3: {  	[tilespmem:v7+s25+$0x0] =	vst.idx.msk $0xffff, v18;
	v61 =	vor.u32 v1, v60;
	v7 =	vld.idx.msk [tilespmem:v21+s16+$0x0], $0xffff  }
0x2a4: {  	[tilespmem:v8+s25+$0x0] =	vst.idx.msk $0xffff, v26;
	v62 =	vld.idx.msk [tilespmem:v24+s16+$0x0], $0xffff  }
0x2a5: {  	[tilespmem:v6+s25+$0x0] =	vst.idx.msk $0xffff, v22;
	v6 =	vld.idx.msk [tilespmem:v28+s16+$0x0], $0xffff  }
0x2a6: {  	[tilespmem:v11+s25+$0x0] =	vst.idx.msk $0xffff, v5;
	v5 =	vld.idx.msk [tilespmem:v56+s16+$0x0], $0xffff  }
0x2a7: {  	[tilespmem:v12+s25+$0x0] =	vst.idx.msk $0xffff, v58;
	v63 =	vld.idx.msk [tilespmem:v59+s16+$0x0], $0xffff  }
0x2a8: {  	[tilespmem:v13+s25+$0x0] =	vst.idx.msk $0xffff, v7;
	v7 =	vld.idx.msk [tilespmem:v61+s16+$0x0], $0xffff  }
0x2a9: {  	[tilespmem:v10+s25+$0x0] =	vst.idx.msk $0xffff, v62  }
0x2aa: {  	[tilespmem:v15+s25+$0x0] =	vst.idx.msk $0xffff, v6  }
0x2ab: {  	[tilespmem:v16+s25+$0x0] =	vst.idx.msk $0xffff, v5  }
0x2ac: {  	[tilespmem:v14+s25+$0x0] =	vst.idx.msk $0xffff, v63  }
0x2ad: {  	s0 =	sadd.s32 s3, s30;
	s4 =	simm.s32 $0x1A000;
	[tilespmem:v20+s25+$0x0] =	vst.idx.msk $0xffff, v7  }
0x2ae: {  	[hbm4b:s0+s11] =	stream.strided.scatter [tilespmem:s4], [sflag:$0x5], $0x40, s12, s11, $0x38;
	[tilespmem:$0x1C000] =	vst v63  }
0x2af: {  	s4 =	simm.s32 $0x100  }
.LBB2_49:
0x2b0: {  	p0 =	sne.s32 s4, $0x7F00  }
.Ltmp23:
0x2b1: {  	_ = 	snop;
	(pc) =	sbr.rel @p0 .LBB2_49-.Ltmp23, $4  }
0x2b2: {  	_ = 	snop  }
0x2b3: {  	s5 =	sshra.s32 s4, $0x2;
	s4 =	sadd.s32 $0x100, s4  }
0x2b4: {  	s0 =	sadd.s32 $0x400, s0;
	s5 =	sadd.s32 $0x1A000, s5  }
0x2b5: {  	[hbm4b:s0+s11] =	stream.strided.scatter [tilespmem:s5], [sflag:$0x5], $0x40, s12, s11, $0x38;
	[tilespmem:$0x1C000] =	vst v63  }
0x2b6: {  	s29 =	sadd.s32 $0x1, s29  }
0x2b7: {  	_ =	swait.ge [sflag:s26], $0x2000;
	p0 =	sne.s32 s29, $0x10  }
.Ltmp24:
0x2b8: {  	[sflag:s26] =	ssyncset.done $0x0;
	(pc) =	sbr.rel @p0 .LBB2_2-.Ltmp24, $4  }
0x2b9: {  	[sflag:s26] =	ssyncadd.s32 $0xFFFFE000  }
0x2ba: {  	_ =	swait.ge [sflag:s28], $0x2000  }
0x2bb: {  	[sflag:s28] =	ssyncset.done $0x0  }
0x2bc: {  	[sflag:s28] =	ssyncadd.s32 $0xFFFFE000  }
0x2bd: {  	s9 =	rddreg [dreg:$0x5]  }
0x2be: {  	s0 =	rddreg [dreg:$0x6];
	s9 =	sadd.s32 $0x1, s9  }
0x2bf: {  	p0 =	sne.s32 s9, s0  }
.Ltmp25:
0x2c0: {  	_ = 	snop;
	(pc) =	sbr.rel @p0 .LBB2_1-.Ltmp25, $1  }
0x2c1: {  	_ =	sdelay $0x3  }
0x2c2: {  	_ =	sfence.sel $0x180000  }
0x2c3: {  	[bflag:$0x0] =	sbarrier.arrive $0xFFFF  }
0x2c4: {  	_ =	strace $0x90000047  }
0x2c5: {  	s0 =	stileid.u32;
	[bflag:$0x2] =	sbarrier.arrive $0xFFFF  }
0x2c6: {  	p0 =	sne.s32 s0, $0x0;
	s0 =	rddreg [dreg:$0x4]  }
0x2c7: {  	s0 =	sadd.s32 @!p0 $0x100000, s0  }
0x2c8: {  	[sflag:s0] =	ssyncadd.tile.s32 @!p0 $0x1;
	_ =	shalt  }
.Lfunc_end2:
_tile_overlayer_lowered:
.L_overlay_start_2:
0x2c9: {  	(tag) =	ssettag $0x2  }
0x2ca: {  	s0 =	rddreg [dreg:$0x0];
	s2 =	stileid.u32  }
0x2cb: {  	s1 =	rddreg [dreg:$0x1];
	p0 =	sne.s32 s2, $0x0  }
0x2cc: {  	s3 =	rddreg [dreg:$0x2];
	[bflag:$0x3] =	sbarrier.arrive $0xFFFF;
	s2 =	simm.s32 @!p0 $0x1C06  }
0x2cd: {  	[timem:s3], [sflag:s2] =	dma.local @!p0 [hbm:s0], s1  }
0x2ce: {  	s0 =	simm.s32 @!p0 $0x6  }
0x2cf: {  	_ =	swait.ge @!p0 [sflag:s0], s1  }
0x2d0: {  	s1 =	ssub.s32 @!p0 $0x0, s1;
	[sflag:s0] =	ssyncset.done @!p0 $0x0  }
0x2d1: {  	[sflag:s0] =	ssyncadd.s32 @!p0 s1  }
0x2d2: {  	[bflag:$0x3] =	sbarrier.arrive $0xFFFF  }
0x2d3: {  	_ =	shalt  }

</sc_bundles>
